<compile_context>
chip_gen: v7x
topology: tpu7x:2x2x1
jax: 0.10.2.dev20260603
libtpu: 0.0.44.dev20260713+nightly
codegen_flags: <defaults>
</compile_context>

<pallas_src>
import jax
import jax.numpy as jnp
from jax import lax
from jax.experimental import pallas as pl
from jax.experimental.pallas import tpu as pltpu
from jax.experimental.pallas import tpu_sc as plsc

B = 16384
F = 26
V = 100000
L = 16
NC = 2
FIELDS_PER_CORE = 13
ROWS = B // 128
CHUNK_ROWS = 64
NCHUNK = ROWS // CHUNK_ROWS


def _sc_body(w_hbm, xt_hbm, alpha_hbm, part_hbm,
             table_v, x_v, y_v, alpha_v, rowidx_v, zbuf_v, shared,
             sem_t, sem_x, sem_a):
    c = lax.axis_index("c")
    s = lax.axis_index("s")
    f = c * FIELDS_PER_CORE + s
    active = s < FIELDS_PER_CORE

    @pl.when(active)
    def _start_dmas():
        pltpu.async_copy(xt_hbm.at[f], x_v, sem_x)
        pltpu.async_copy(w_hbm.at[f], table_v, sem_t)
        pltpu.async_copy(alpha_hbm, alpha_v, sem_a)

    zrow = jnp.zeros((L,), jnp.float32)

    def zero_body(r, carry):
        for g in range(128 // L):
            zbuf_v[r, pl.ds(g * L, L)] = zrow
        return carry

    lax.fori_loop(0, 8, zero_body, 0)
    pltpu.sync_copy(zbuf_v, shared.at[pl.ds(s * 8, 8)])
    plsc.subcore_barrier()

    @pl.when(active)
    def _compute():
        pltpu.make_async_copy(alpha_hbm, alpha_v, sem_a).wait()
        af = plsc.load_gather(alpha_v, [jnp.full((L,), f, jnp.int32)])
        t = 1.0 - 2.0 / (jnp.exp(2.0 * af) + 1.0)
        pltpu.make_async_copy(xt_hbm.at[f], x_v, sem_x).wait()
        pltpu.make_async_copy(w_hbm.at[f], table_v, sem_t).wait()

        def chunk_body(cc, carry):
            @plsc.parallel_loop(0, CHUNK_ROWS, unroll=4)
            def row_body(r):
                for g in range(128 // L):
                    off = cc * (CHUNK_ROWS * 128) + r * 128 + g * L
                    idx = x_v[pl.ds(off, L)]
                    vals = plsc.load_gather(table_v, [idx])
                    y_v[r, pl.ds(g * L, L)] = vals * t

            def idx_body(k, carry2):
                rowidx_v[pl.ds(k * L, L)] = (
                    cc * CHUNK_ROWS + k * L + lax.iota(jnp.int32, L)
                )
                return carry2

            lax.fori_loop(0, CHUNK_ROWS // L, idx_body, 0)
            pltpu.sync_copy(y_v, shared.at[rowidx_v], add=True)
            return carry

        lax.fori_loop(0, NCHUNK, chunk_body, 0)

    plsc.subcore_barrier()
    pltpu.sync_copy(shared.at[pl.ds(s * 8, 8)], part_hbm.at[c, pl.ds(s * 8, 8)])


def _combine_body(p_ref, o_ref):
    o_ref[...] = p_ref[0] + p_ref[1]


def kernel(X, W, alpha):
    XT = X.T

    mesh = plsc.VectorSubcoreMesh(core_axis_name="c", subcore_axis_name="s")
    sc_fn = pl.kernel(
        _sc_body,
        mesh=mesh,
        compiler_params=pltpu.CompilerParams(needs_layout_passes=False),
        out_type=jax.ShapeDtypeStruct((NC, ROWS, 128), jnp.float32),
        scratch_types=[
            pltpu.VMEM((V,), jnp.float32),
            pltpu.VMEM((B,), jnp.int32),
            pltpu.VMEM((CHUNK_ROWS, 128), jnp.float32),
            pltpu.VMEM((F,), jnp.float32),
            pltpu.VMEM((CHUNK_ROWS,), jnp.int32),
            pltpu.VMEM((8, 128), jnp.float32),
            pltpu.VMEM_SHARED((ROWS, 128), jnp.float32),
            pltpu.SemaphoreType.DMA,
            pltpu.SemaphoreType.DMA,
            pltpu.SemaphoreType.DMA,
        ],
    )
    partials = sc_fn(W, XT, alpha)

    out = pl.pallas_call(
        _combine_body,
        out_shape=jax.ShapeDtypeStruct((ROWS, 128), jnp.float32),
    )(partials)
    return out.reshape(B, 1)

# --- scband reference (transcript-rebuilt; emitter-appended) ---
"""Pipeline reference for scband-normalized-weighted-linear-layer-81054622810248 (READ-ONLY COPY).

The authoritative reference and input builder live on the scoring server;
editing this copy changes nothing except your own understanding.
"""

import jax, jax.numpy as jnp
import numpy as np

B = 16384   # batch
F = 26      # n_sparse_fields
V = 100000  # vocab per field
INIT_STD = 1e-4
ALPHA_MEAN = 0.5
ALPHA_RADIUS = 0.001


def setup_inputs(seed: int = 0) -> dict:
    key = jax.random.key(seed)
    kx, kw, ka = jax.random.split(key, 3)
    # forward input: one categorical id per field
    X = jax.random.randint(kx, (B, F), 0, V, dtype=jnp.int32)
    # learned params: 26 linear-embedding tables (dim=1), stacked as [F, V]
    W = jax.random.normal(kw, (F, V), dtype=jnp.float32) * INIT_STD
    # structure params alpha ~ U(mean - radius, mean + radius), one per field
    alpha = ALPHA_MEAN + (jax.random.uniform(ka, (F,), dtype=jnp.float32) * 2.0 - 1.0) * ALPHA_RADIUS
    return {"X": X, "W": W, "alpha": alpha}


def reference(X, W, alpha):
    # per-field embedding lookup (embedding_dim == 1):
    # emb[b, f] = W[f, X[b, f]]  <=> torch.cat(embedding_list, dim=1).squeeze(-1)
    field_idx = jnp.arange(F, dtype=X.dtype)[None, :]  # [1, F]
    emb = W[field_idx, X]                              # [B, F] gather
    # weighted sum with tanh-activated structure params
    linear_logit = jnp.sum(emb * jnp.tanh(alpha), axis=-1, keepdims=True)  # [B, 1]
    return linear_logit

if __name__ == "__main__":
    import jax
    _d = setup_inputs()
    print(jax.jit(kernel)(*tuple(_d.values())))

</pallas_src>

<mosaic_0001>
#map = affine_map<(d0, d1) -> (0, 0)>
#map1 = affine_map<(d0, d1) -> (0)>
#map2 = affine_map<(d0, d1) -> (0, 0, 0)>
module attributes {stable_mosaic.version = 14 : i64} {
  func.func @_sc_body(%arg0: i32, %arg1: i32, %arg2: memref<26x100000xf32, #tpu.memory_space<hbm>>, %arg3: memref<26x16384xi32, #tpu.memory_space<hbm>>, %arg4: memref<26xf32, #tpu.memory_space<hbm>>, %arg5: memref<2x128x128xf32, #tpu.memory_space<hbm>>, %arg6: memref<100000xf32, #tpu.memory_space<vmem>>, %arg7: memref<16384xi32, #tpu.memory_space<vmem>>, %arg8: memref<64x128xf32, #tpu.memory_space<vmem>>, %arg9: memref<26xf32, #tpu.memory_space<vmem>>, %arg10: memref<64xi32, #tpu.memory_space<vmem>>, %arg11: memref<8x128xf32, #tpu.memory_space<vmem>>, %arg12: memref<128x128xf32, #tpu.memory_space<vmem_shared>>, %arg13: memref<!tpu.dma_semaphore, #tpu.memory_space<semaphore_mem>>, %arg14: memref<!tpu.dma_semaphore, #tpu.memory_space<semaphore_mem>>, %arg15: memref<!tpu.dma_semaphore, #tpu.memory_space<semaphore_mem>>) attributes {dimension_semantics = [#tpu.dimension_semantics<core_parallel>, #tpu.dimension_semantics<subcore_parallel>], iteration_bounds = array<i64: 2, 16>, scalar_prefetch = 0 : i64, scratch_operands = 10 : i64, tpu.core_type = #tpu.core_type<sc_vector_subcore>, window_params = [{transform_indices = #map}, {transform_indices = #map}, {transform_indices = #map1}, {transform_indices = #map2}]} {
    %mul3A = arith.constant 13 : i32
    %mul3A_0 = arith.muli %arg0, %mul3A : i32
    %add3A = arith.addi %mul3A_0, %arg1 : i32
    %lt3A = arith.constant 13 : i32
    %lt3A_1 = arith.cmpi slt, %arg1, %lt3A : i32
    %convert_element_type3A = arith.extui %lt3A_1 : i1 to i32
    %cond3A = arith.constant 0 : i32
    %cond3A_2 = arith.cmpi ne, %convert_element_type3A, %cond3A : i32
    scf.if %cond3A_2 {
      %dma_start3A = arith.constant 0 : i32
      %dma_start3A_19 = tpu.memref_slice %arg3[%add3A, %dma_start3A] : memref<26x16384xi32, #tpu.memory_space<hbm>> -> memref<1x16384xi32, #tpu.memory_space<hbm>>
      %dma_start3A_20 = tpu.memref_squeeze %dma_start3A_19 : memref<1x16384xi32, #tpu.memory_space<hbm>> -> memref<16384xi32, #tpu.memory_space<hbm>>
      %dma_start3A_21 = arith.constant 0 : i32
      %dma_start3A_22 = tpu.memref_slice %arg3[%add3A, %dma_start3A_21] : memref<26x16384xi32, #tpu.memory_space<hbm>> -> memref<1x16384xi32, #tpu.memory_space<hbm>>
      %dma_start3A_23 = tpu.memref_squeeze %dma_start3A_22 : memref<1x16384xi32, #tpu.memory_space<hbm>> -> memref<16384xi32, #tpu.memory_space<hbm>>
      tpu.enqueue_dma source(%dma_start3A_23 : memref<16384xi32, #tpu.memory_space<hbm>>) target(%arg7 : memref<16384xi32, #tpu.memory_space<vmem>>) target_semaphore(%arg14 : memref<!tpu.dma_semaphore, #tpu.memory_space<semaphore_mem>>)
      %dma_start3A_24 = arith.constant 0 : i32
      %dma_start3A_25 = tpu.memref_slice %arg2[%add3A, %dma_start3A_24] : memref<26x100000xf32, #tpu.memory_space<hbm>> -> memref<1x100000xf32, #tpu.memory_space<hbm>>
      %dma_start3A_26 = tpu.memref_squeeze %dma_start3A_25 : memref<1x100000xf32, #tpu.memory_space<hbm>> -> memref<100000xf32, #tpu.memory_space<hbm>>
      %dma_start3A_27 = arith.constant 0 : i32
      %dma_start3A_28 = tpu.memref_slice %arg2[%add3A, %dma_start3A_27] : memref<26x100000xf32, #tpu.memory_space<hbm>> -> memref<1x100000xf32, #tpu.memory_space<hbm>>
      %dma_start3A_29 = tpu.memref_squeeze %dma_start3A_28 : memref<1x100000xf32, #tpu.memory_space<hbm>> -> memref<100000xf32, #tpu.memory_space<hbm>>
      tpu.enqueue_dma source(%dma_start3A_29 : memref<100000xf32, #tpu.memory_space<hbm>>) target(%arg6 : memref<100000xf32, #tpu.memory_space<vmem>>) target_semaphore(%arg13 : memref<!tpu.dma_semaphore, #tpu.memory_space<semaphore_mem>>)
      tpu.enqueue_dma source(%arg4 : memref<26xf32, #tpu.memory_space<hbm>>) target(%arg9 : memref<26xf32, #tpu.memory_space<vmem>>) target_semaphore(%arg15 : memref<!tpu.dma_semaphore, #tpu.memory_space<semaphore_mem>>)
    } else {
    }
    %broadcast_in_dim3A = arith.constant 0.000000e+00 : f32
    %broadcast_in_dim3A_3 = vector.broadcast %broadcast_in_dim3A : f32 to vector<16xf32>
    %scan3A = arith.constant 0 : i32
    %scan3A_4 = arith.constant 0 : i32
    %scan3A_5 = arith.constant 8 : i32
    %scan3A_6 = arith.addi %scan3A_4, %scan3A_5 : i32
    %scan3A_7 = arith.constant 1 : i32
    scf.for %scan3A_19 = %scan3A_4 to %scan3A_6 step %scan3A_7  : i32 {
      %swap3A = arith.index_cast %scan3A_19 : i32 to index
      %swap3A_20 = arith.constant 0 : index
      %swap3A_21 = tpu.vector_load %arg11[%swap3A, %swap3A_20] {strides = array<i32>} : memref<8x128xf32, #tpu.memory_space<vmem>>, vector<16xf32>,
      tpu.vector_store %arg11[%swap3A, %swap3A_20], %broadcast_in_dim3A_3 {strides = array<i32>} : memref<8x128xf32, #tpu.memory_space<vmem>>, vector<16xf32>,
      %swap3A_22 = arith.index_cast %scan3A_19 : i32 to index
      %swap3A_23 = arith.constant 16 : index
      %swap3A_24 = tpu.vector_load %arg11[%swap3A_22, %swap3A_23] {strides = array<i32>} : memref<8x128xf32, #tpu.memory_space<vmem>>, vector<16xf32>,
      tpu.vector_store %arg11[%swap3A_22, %swap3A_23], %broadcast_in_dim3A_3 {strides = array<i32>} : memref<8x128xf32, #tpu.memory_space<vmem>>, vector<16xf32>,
      %swap3A_25 = arith.index_cast %scan3A_19 : i32 to index
      %swap3A_26 = arith.constant 32 : index
      %swap3A_27 = tpu.vector_load %arg11[%swap3A_25, %swap3A_26] {strides = array<i32>} : memref<8x128xf32, #tpu.memory_space<vmem>>, vector<16xf32>,
      tpu.vector_store %arg11[%swap3A_25, %swap3A_26], %broadcast_in_dim3A_3 {strides = array<i32>} : memref<8x128xf32, #tpu.memory_space<vmem>>, vector<16xf32>,
      %swap3A_28 = arith.index_cast %scan3A_19 : i32 to index
      %swap3A_29 = arith.constant 48 : index
      %swap3A_30 = tpu.vector_load %arg11[%swap3A_28, %swap3A_29] {strides = array<i32>} : memref<8x128xf32, #tpu.memory_space<vmem>>, vector<16xf32>,
      tpu.vector_store %arg11[%swap3A_28, %swap3A_29], %broadcast_in_dim3A_3 {strides = array<i32>} : memref<8x128xf32, #tpu.memory_space<vmem>>, vector<16xf32>,
      %swap3A_31 = arith.index_cast %scan3A_19 : i32 to index
      %swap3A_32 = arith.constant 64 : index
      %swap3A_33 = tpu.vector_load %arg11[%swap3A_31, %swap3A_32] {strides = array<i32>} : memref<8x128xf32, #tpu.memory_space<vmem>>, vector<16xf32>,
      tpu.vector_store %arg11[%swap3A_31, %swap3A_32], %broadcast_in_dim3A_3 {strides = array<i32>} : memref<8x128xf32, #tpu.memory_space<vmem>>, vector<16xf32>,
      %swap3A_34 = arith.index_cast %scan3A_19 : i32 to index
      %swap3A_35 = arith.constant 80 : index
      %swap3A_36 = tpu.vector_load %arg11[%swap3A_34, %swap3A_35] {strides = array<i32>} : memref<8x128xf32, #tpu.memory_space<vmem>>, vector<16xf32>,
      tpu.vector_store %arg11[%swap3A_34, %swap3A_35], %broadcast_in_dim3A_3 {strides = array<i32>} : memref<8x128xf32, #tpu.memory_space<vmem>>, vector<16xf32>,
      %swap3A_37 = arith.index_cast %scan3A_19 : i32 to index
      %swap3A_38 = arith.constant 96 : index
      %swap3A_39 = tpu.vector_load %arg11[%swap3A_37, %swap3A_38] {strides = array<i32>} : memref<8x128xf32, #tpu.memory_space<vmem>>, vector<16xf32>,
      tpu.vector_store %arg11[%swap3A_37, %swap3A_38], %broadcast_in_dim3A_3 {strides = array<i32>} : memref<8x128xf32, #tpu.memory_space<vmem>>, vector<16xf32>,
      %swap3A_40 = arith.index_cast %scan3A_19 : i32 to index
      %swap3A_41 = arith.constant 112 : index
      %swap3A_42 = tpu.vector_load %arg11[%swap3A_40, %swap3A_41] {strides = array<i32>} : memref<8x128xf32, #tpu.memory_space<vmem>>, vector<16xf32>,
      tpu.vector_store %arg11[%swap3A_40, %swap3A_41], %broadcast_in_dim3A_3 {strides = array<i32>} : memref<8x128xf32, #tpu.memory_space<vmem>>, vector<16xf32>,
    }
    %scan3A_8 = arith.constant 8 : i32
    %mul3A_9 = arith.constant 8 : i32
    %mul3A_10 = arith.muli %arg1, %mul3A_9 : i32
    "tpu.region"() ({
      %run_scoped3A = tpu.sem_alloc : memref<!tpu.dma_semaphore, #tpu.memory_space<semaphore_mem>>
      %dma_start3A = arith.constant 0 : i32
      %dma_start3A_19 = tpu.memref_slice %arg12[%mul3A_10, %dma_start3A] : memref<128x128xf32, #tpu.memory_space<vmem_shared>> -> memref<8x128xf32, #tpu.memory_space<vmem_shared>>
      %dma_start3A_20 = arith.constant 0 : i32
      %dma_start3A_21 = tpu.memref_slice %arg12[%mul3A_10, %dma_start3A_20] : memref<128x128xf32, #tpu.memory_space<vmem_shared>> -> memref<8x128xf32, #tpu.memory_space<vmem_shared>>
      tpu.enqueue_dma source(%arg11 : memref<8x128xf32, #tpu.memory_space<vmem>>) target(%dma_start3A_21 : memref<8x128xf32, #tpu.memory_space<vmem_shared>>) target_semaphore(%run_scoped3A : memref<!tpu.dma_semaphore, #tpu.memory_space<semaphore_mem>>)
      %dma_wait3A = arith.constant 0 : i32
      %dma_wait3A_22 = tpu.memref_slice %arg12[%mul3A_10, %dma_wait3A] : memref<128x128xf32, #tpu.memory_space<vmem_shared>> -> memref<8x128xf32, #tpu.memory_space<vmem_shared>>
      %dma_wait3A_23 = arith.constant 0 : i32
      %dma_wait3A_24 = tpu.memref_slice %arg12[%mul3A_10, %dma_wait3A_23] : memref<128x128xf32, #tpu.memory_space<vmem_shared>> -> memref<8x128xf32, #tpu.memory_space<vmem_shared>>
      tpu.wait_dma2 semaphore(%run_scoped3A : memref<!tpu.dma_semaphore, #tpu.memory_space<semaphore_mem>>) src(%arg11 : memref<8x128xf32, #tpu.memory_space<vmem>>) dst(%dma_wait3A_24 : memref<8x128xf32, #tpu.memory_space<vmem_shared>>)
      tpu.yield
    }) : () -> ()
    %barrier3A = arith.constant 0 : index
    tpu.barrier barrier_id(%barrier3A)
    %convert_element_type3A_11 = arith.extui %lt3A_1 : i1 to i32
    %cond3A_12 = arith.constant 0 : i32
    %cond3A_13 = arith.cmpi ne, %convert_element_type3A_11, %cond3A_12 : i32
    scf.if %cond3A_13 {
      tpu.wait_dma2 semaphore(%arg15 : memref<!tpu.dma_semaphore, #tpu.memory_space<semaphore_mem>>) src(%arg4 : memref<26xf32, #tpu.memory_space<hbm>>) dst(%arg9 : memref<26xf32, #tpu.memory_space<vmem>>)
      %broadcast_in_dim3A_19 = vector.broadcast %add3A : i32 to vector<16xi32>
      %gather3A = tpu.vector_load_idx %arg9[%broadcast_in_dim3A_19] : memref<26xf32, #tpu.memory_space<vmem>>[vector<16xi32>], vector<16xf32>,
      %mul3A_20 = arith.constant 2.000000e+00 : f32
      %mul3A_21 = vector.broadcast %mul3A_20 : f32 to vector<16xf32>
      %mul3A_22 = arith.mulf %mul3A_21, %gather3A : vector<16xf32>
      %exp3A = math.exp %mul3A_22 : vector<16xf32>
      %add3A_23 = arith.constant 1.000000e+00 : f32
      %add3A_24 = vector.broadcast %add3A_23 : f32 to vector<16xf32>
      %add3A_25 = arith.addf %exp3A, %add3A_24 : vector<16xf32>
      %div3A = arith.constant 2.000000e+00 : f32
      %div3A_26 = vector.broadcast %div3A : f32 to vector<16xf32>
      %div3A_27 = arith.divf %div3A_26, %add3A_25 : vector<16xf32>
      %sub3A = arith.constant 1.000000e+00 : f32
      %sub3A_28 = vector.broadcast %sub3A : f32 to vector<16xf32>
      %sub3A_29 = arith.subf %sub3A_28, %div3A_27 : vector<16xf32>
      %dma_wait3A = arith.constant 0 : i32
      %dma_wait3A_30 = tpu.memref_slice %arg3[%add3A, %dma_wait3A] : memref<26x16384xi32, #tpu.memory_space<hbm>> -> memref<1x16384xi32, #tpu.memory_space<hbm>>
      %dma_wait3A_31 = tpu.memref_squeeze %dma_wait3A_30 : memref<1x16384xi32, #tpu.memory_space<hbm>> -> memref<16384xi32, #tpu.memory_space<hbm>>
      %dma_wait3A_32 = arith.constant 0 : i32
      %dma_wait3A_33 = tpu.memref_slice %arg3[%add3A, %dma_wait3A_32] : memref<26x16384xi32, #tpu.memory_space<hbm>> -> memref<1x16384xi32, #tpu.memory_space<hbm>>
      %dma_wait3A_34 = tpu.memref_squeeze %dma_wait3A_33 : memref<1x16384xi32, #tpu.memory_space<hbm>> -> memref<16384xi32, #tpu.memory_space<hbm>>
      tpu.wait_dma2 semaphore(%arg14 : memref<!tpu.dma_semaphore, #tpu.memory_space<semaphore_mem>>) src(%dma_wait3A_34 : memref<16384xi32, #tpu.memory_space<hbm>>) dst(%arg7 : memref<16384xi32, #tpu.memory_space<vmem>>)
      %dma_wait3A_35 = arith.constant 0 : i32
      %dma_wait3A_36 = tpu.memref_slice %arg2[%add3A, %dma_wait3A_35] : memref<26x100000xf32, #tpu.memory_space<hbm>> -> memref<1x100000xf32, #tpu.memory_space<hbm>>
      %dma_wait3A_37 = tpu.memref_squeeze %dma_wait3A_36 : memref<1x100000xf32, #tpu.memory_space<hbm>> -> memref<100000xf32, #tpu.memory_space<hbm>>
      %dma_wait3A_38 = arith.constant 0 : i32
      %dma_wait3A_39 = tpu.memref_slice %arg2[%add3A, %dma_wait3A_38] : memref<26x100000xf32, #tpu.memory_space<hbm>> -> memref<1x100000xf32, #tpu.memory_space<hbm>>
      %dma_wait3A_40 = tpu.memref_squeeze %dma_wait3A_39 : memref<1x100000xf32, #tpu.memory_space<hbm>> -> memref<100000xf32, #tpu.memory_space<hbm>>
      tpu.wait_dma2 semaphore(%arg13 : memref<!tpu.dma_semaphore, #tpu.memory_space<semaphore_mem>>) src(%dma_wait3A_40 : memref<100000xf32, #tpu.memory_space<hbm>>) dst(%arg6 : memref<100000xf32, #tpu.memory_space<vmem>>)
      %scan3A_41 = arith.constant 0 : i32
      %scan3A_42 = arith.constant 0 : i32
      %scan3A_43 = arith.constant 2 : i32
      %scan3A_44 = arith.addi %scan3A_42, %scan3A_43 : i32
      %scan3A_45 = arith.constant 1 : i32
      scf.for %scan3A_47 = %scan3A_42 to %scan3A_44 step %scan3A_45  : i32 {
        %parallel_loop3A = arith.constant 0 : i32
        %parallel_loop3A_48 = arith.constant 64 : i32
        %parallel_loop3A_49 = arith.constant 1 : i32
        scf.for %parallel_loop3A_56 = %parallel_loop3A to %parallel_loop3A_48 step %parallel_loop3A_49  : i32 {
          %parallel_loop3A_57 = arith.constant 8192 : i32
          %parallel_loop3A_58 = arith.muli %scan3A_47, %parallel_loop3A_57 : i32
          %parallel_loop3A_59 = arith.constant 128 : i32
          %parallel_loop3A_60 = arith.muli %parallel_loop3A_56, %parallel_loop3A_59 : i32
          %parallel_loop3A_61 = arith.addi %parallel_loop3A_58, %parallel_loop3A_60 : i32
          %parallel_loop3A_62 = arith.constant 0 : i32
          %parallel_loop3A_63 = arith.addi %parallel_loop3A_61, %parallel_loop3A_62 : i32
          %parallel_loop3A_64 = arith.index_cast %parallel_loop3A_63 : i32 to index
          %parallel_loop3A_65 = tpu.vector_load %arg7[%parallel_loop3A_64] {strides = array<i32>} : memref<16384xi32, #tpu.memory_space<vmem>>, vector<16xi32>,
          %parallel_loop3A_66 = tpu.vector_load_idx %arg6[%parallel_loop3A_65] : memref<100000xf32, #tpu.memory_space<vmem>>[vector<16xi32>], vector<16xf32>,
          %parallel_loop3A_67 = arith.mulf %parallel_loop3A_66, %sub3A_29 : vector<16xf32>
          %parallel_loop3A_68 = arith.index_cast %parallel_loop3A_56 : i32 to index
          %parallel_loop3A_69 = arith.constant 0 : index
          %parallel_loop3A_70 = tpu.vector_load %arg8[%parallel_loop3A_68, %parallel_loop3A_69] {strides = array<i32>} : memref<64x128xf32, #tpu.memory_space<vmem>>, vector<16xf32>,
          tpu.vector_store %arg8[%parallel_loop3A_68, %parallel_loop3A_69], %parallel_loop3A_67 {strides = array<i32>} : memref<64x128xf32, #tpu.memory_space<vmem>>, vector<16xf32>,
          %parallel_loop3A_71 = arith.constant 8192 : i32
          %parallel_loop3A_72 = arith.muli %scan3A_47, %parallel_loop3A_71 : i32
          %parallel_loop3A_73 = arith.constant 128 : i32
          %parallel_loop3A_74 = arith.muli %parallel_loop3A_56, %parallel_loop3A_73 : i32
          %parallel_loop3A_75 = arith.addi %parallel_loop3A_72, %parallel_loop3A_74 : i32
          %parallel_loop3A_76 = arith.constant 16 : i32
          %parallel_loop3A_77 = arith.addi %parallel_loop3A_75, %parallel_loop3A_76 : i32
          %parallel_loop3A_78 = arith.index_cast %parallel_loop3A_77 : i32 to index
          %parallel_loop3A_79 = tpu.vector_load %arg7[%parallel_loop3A_78] {strides = array<i32>} : memref<16384xi32, #tpu.memory_space<vmem>>, vector<16xi32>,
          %parallel_loop3A_80 = tpu.vector_load_idx %arg6[%parallel_loop3A_79] : memref<100000xf32, #tpu.memory_space<vmem>>[vector<16xi32>], vector<16xf32>,
          %parallel_loop3A_81 = arith.mulf %parallel_loop3A_80, %sub3A_29 : vector<16xf32>
          %parallel_loop3A_82 = arith.index_cast %parallel_loop3A_56 : i32 to index
          %parallel_loop3A_83 = arith.constant 16 : index
          %parallel_loop3A_84 = tpu.vector_load %arg8[%parallel_loop3A_82, %parallel_loop3A_83] {strides = array<i32>} : memref<64x128xf32, #tpu.memory_space<vmem>>, vector<16xf32>,
          tpu.vector_store %arg8[%parallel_loop3A_82, %parallel_loop3A_83], %parallel_loop3A_81 {strides = array<i32>} : memref<64x128xf32, #tpu.memory_space<vmem>>, vector<16xf32>,
          %parallel_loop3A_85 = arith.constant 8192 : i32
          %parallel_loop3A_86 = arith.muli %scan3A_47, %parallel_loop3A_85 : i32
          %parallel_loop3A_87 = arith.constant 128 : i32
          %parallel_loop3A_88 = arith.muli %parallel_loop3A_56, %parallel_loop3A_87 : i32
          %parallel_loop3A_89 = arith.addi %parallel_loop3A_86, %parallel_loop3A_88 : i32
          %parallel_loop3A_90 = arith.constant 32 : i32
          %parallel_loop3A_91 = arith.addi %parallel_loop3A_89, %parallel_loop3A_90 : i32
          %parallel_loop3A_92 = arith.index_cast %parallel_loop3A_91 : i32 to index
          %parallel_loop3A_93 = tpu.vector_load %arg7[%parallel_loop3A_92] {strides = array<i32>} : memref<16384xi32, #tpu.memory_space<vmem>>, vector<16xi32>,
          %parallel_loop3A_94 = tpu.vector_load_idx %arg6[%parallel_loop3A_93] : memref<100000xf32, #tpu.memory_space<vmem>>[vector<16xi32>], vector<16xf32>,
          %parallel_loop3A_95 = arith.mulf %parallel_loop3A_94, %sub3A_29 : vector<16xf32>
          %parallel_loop3A_96 = arith.index_cast %parallel_loop3A_56 : i32 to index
          %parallel_loop3A_97 = arith.constant 32 : index
          %parallel_loop3A_98 = tpu.vector_load %arg8[%parallel_loop3A_96, %parallel_loop3A_97] {strides = array<i32>} : memref<64x128xf32, #tpu.memory_space<vmem>>, vector<16xf32>,
          tpu.vector_store %arg8[%parallel_loop3A_96, %parallel_loop3A_97], %parallel_loop3A_95 {strides = array<i32>} : memref<64x128xf32, #tpu.memory_space<vmem>>, vector<16xf32>,
          %parallel_loop3A_99 = arith.constant 8192 : i32
          %parallel_loop3A_100 = arith.muli %scan3A_47, %parallel_loop3A_99 : i32
          %parallel_loop3A_101 = arith.constant 128 : i32
          %parallel_loop3A_102 = arith.muli %parallel_loop3A_56, %parallel_loop3A_101 : i32
          %parallel_loop3A_103 = arith.addi %parallel_loop3A_100, %parallel_loop3A_102 : i32
          %parallel_loop3A_104 = arith.constant 48 : i32
          %parallel_loop3A_105 = arith.addi %parallel_loop3A_103, %parallel_loop3A_104 : i32
          %parallel_loop3A_106 = arith.index_cast %parallel_loop3A_105 : i32 to index
          %parallel_loop3A_107 = tpu.vector_load %arg7[%parallel_loop3A_106] {strides = array<i32>} : memref<16384xi32, #tpu.memory_space<vmem>>, vector<16xi32>,
          %parallel_loop3A_108 = tpu.vector_load_idx %arg6[%parallel_loop3A_107] : memref<100000xf32, #tpu.memory_space<vmem>>[vector<16xi32>], vector<16xf32>,
          %parallel_loop3A_109 = arith.mulf %parallel_loop3A_108, %sub3A_29 : vector<16xf32>
          %parallel_loop3A_110 = arith.index_cast %parallel_loop3A_56 : i32 to index
          %parallel_loop3A_111 = arith.constant 48 : index
          %parallel_loop3A_112 = tpu.vector_load %arg8[%parallel_loop3A_110, %parallel_loop3A_111] {strides = array<i32>} : memref<64x128xf32, #tpu.memory_space<vmem>>, vector<16xf32>,
          tpu.vector_store %arg8[%parallel_loop3A_110, %parallel_loop3A_111], %parallel_loop3A_109 {strides = array<i32>} : memref<64x128xf32, #tpu.memory_space<vmem>>, vector<16xf32>,
          %parallel_loop3A_113 = arith.constant 8192 : i32
          %parallel_loop3A_114 = arith.muli %scan3A_47, %parallel_loop3A_113 : i32
          %parallel_loop3A_115 = arith.constant 128 : i32
          %parallel_loop3A_116 = arith.muli %parallel_loop3A_56, %parallel_loop3A_115 : i32
          %parallel_loop3A_117 = arith.addi %parallel_loop3A_114, %parallel_loop3A_116 : i32
          %parallel_loop3A_118 = arith.constant 64 : i32
          %parallel_loop3A_119 = arith.addi %parallel_loop3A_117, %parallel_loop3A_118 : i32
          %parallel_loop3A_120 = arith.index_cast %parallel_loop3A_119 : i32 to index
          %parallel_loop3A_121 = tpu.vector_load %arg7[%parallel_loop3A_120] {strides = array<i32>} : memref<16384xi32, #tpu.memory_space<vmem>>, vector<16xi32>,
          %parallel_loop3A_122 = tpu.vector_load_idx %arg6[%parallel_loop3A_121] : memref<100000xf32, #tpu.memory_space<vmem>>[vector<16xi32>], vector<16xf32>,
          %parallel_loop3A_123 = arith.mulf %parallel_loop3A_122, %sub3A_29 : vector<16xf32>
          %parallel_loop3A_124 = arith.index_cast %parallel_loop3A_56 : i32 to index
          %parallel_loop3A_125 = arith.constant 64 : index
          %parallel_loop3A_126 = tpu.vector_load %arg8[%parallel_loop3A_124, %parallel_loop3A_125] {strides = array<i32>} : memref<64x128xf32, #tpu.memory_space<vmem>>, vector<16xf32>,
          tpu.vector_store %arg8[%parallel_loop3A_124, %parallel_loop3A_125], %parallel_loop3A_123 {strides = array<i32>} : memref<64x128xf32, #tpu.memory_space<vmem>>, vector<16xf32>,
          %parallel_loop3A_127 = arith.constant 8192 : i32
          %parallel_loop3A_128 = arith.muli %scan3A_47, %parallel_loop3A_127 : i32
          %parallel_loop3A_129 = arith.constant 128 : i32
          %parallel_loop3A_130 = arith.muli %parallel_loop3A_56, %parallel_loop3A_129 : i32
          %parallel_loop3A_131 = arith.addi %parallel_loop3A_128, %parallel_loop3A_130 : i32
          %parallel_loop3A_132 = arith.constant 80 : i32
          %parallel_loop3A_133 = arith.addi %parallel_loop3A_131, %parallel_loop3A_132 : i32
          %parallel_loop3A_134 = arith.index_cast %parallel_loop3A_133 : i32 to index
          %parallel_loop3A_135 = tpu.vector_load %arg7[%parallel_loop3A_134] {strides = array<i32>} : memref<16384xi32, #tpu.memory_space<vmem>>, vector<16xi32>,
          %parallel_loop3A_136 = tpu.vector_load_idx %arg6[%parallel_loop3A_135] : memref<100000xf32, #tpu.memory_space<vmem>>[vector<16xi32>], vector<16xf32>,
          %parallel_loop3A_137 = arith.mulf %parallel_loop3A_136, %sub3A_29 : vector<16xf32>
          %parallel_loop3A_138 = arith.index_cast %parallel_loop3A_56 : i32 to index
          %parallel_loop3A_139 = arith.constant 80 : index
          %parallel_loop3A_140 = tpu.vector_load %arg8[%parallel_loop3A_138, %parallel_loop3A_139] {strides = array<i32>} : memref<64x128xf32, #tpu.memory_space<vmem>>, vector<16xf32>,
          tpu.vector_store %arg8[%parallel_loop3A_138, %parallel_loop3A_139], %parallel_loop3A_137 {strides = array<i32>} : memref<64x128xf32, #tpu.memory_space<vmem>>, vector<16xf32>,
          %parallel_loop3A_141 = arith.constant 8192 : i32
          %parallel_loop3A_142 = arith.muli %scan3A_47, %parallel_loop3A_141 : i32
          %parallel_loop3A_143 = arith.constant 128 : i32
          %parallel_loop3A_144 = arith.muli %parallel_loop3A_56, %parallel_loop3A_143 : i32
          %parallel_loop3A_145 = arith.addi %parallel_loop3A_142, %parallel_loop3A_144 : i32
          %parallel_loop3A_146 = arith.constant 96 : i32
          %parallel_loop3A_147 = arith.addi %parallel_loop3A_145, %parallel_loop3A_146 : i32
          %parallel_loop3A_148 = arith.index_cast %parallel_loop3A_147 : i32 to index
          %parallel_loop3A_149 = tpu.vector_load %arg7[%parallel_loop3A_148] {strides = array<i32>} : memref<16384xi32, #tpu.memory_space<vmem>>, vector<16xi32>,
          %parallel_loop3A_150 = tpu.vector_load_idx %arg6[%parallel_loop3A_149] : memref<100000xf32, #tpu.memory_space<vmem>>[vector<16xi32>], vector<16xf32>,
          %parallel_loop3A_151 = arith.mulf %parallel_loop3A_150, %sub3A_29 : vector<16xf32>
          %parallel_loop3A_152 = arith.index_cast %parallel_loop3A_56 : i32 to index
          %parallel_loop3A_153 = arith.constant 96 : index
          %parallel_loop3A_154 = tpu.vector_load %arg8[%parallel_loop3A_152, %parallel_loop3A_153] {strides = array<i32>} : memref<64x128xf32, #tpu.memory_space<vmem>>, vector<16xf32>,
          tpu.vector_store %arg8[%parallel_loop3A_152, %parallel_loop3A_153], %parallel_loop3A_151 {strides = array<i32>} : memref<64x128xf32, #tpu.memory_space<vmem>>, vector<16xf32>,
          %parallel_loop3A_155 = arith.constant 8192 : i32
          %parallel_loop3A_156 = arith.muli %scan3A_47, %parallel_loop3A_155 : i32
          %parallel_loop3A_157 = arith.constant 128 : i32
          %parallel_loop3A_158 = arith.muli %parallel_loop3A_56, %parallel_loop3A_157 : i32
          %parallel_loop3A_159 = arith.addi %parallel_loop3A_156, %parallel_loop3A_158 : i32
          %parallel_loop3A_160 = arith.constant 112 : i32
          %parallel_loop3A_161 = arith.addi %parallel_loop3A_159, %parallel_loop3A_160 : i32
          %parallel_loop3A_162 = arith.index_cast %parallel_loop3A_161 : i32 to index
          %parallel_loop3A_163 = tpu.vector_load %arg7[%parallel_loop3A_162] {strides = array<i32>} : memref<16384xi32, #tpu.memory_space<vmem>>, vector<16xi32>,
          %parallel_loop3A_164 = tpu.vector_load_idx %arg6[%parallel_loop3A_163] : memref<100000xf32, #tpu.memory_space<vmem>>[vector<16xi32>], vector<16xf32>,
          %parallel_loop3A_165 = arith.mulf %parallel_loop3A_164, %sub3A_29 : vector<16xf32>
          %parallel_loop3A_166 = arith.index_cast %parallel_loop3A_56 : i32 to index
          %parallel_loop3A_167 = arith.constant 112 : index
          %parallel_loop3A_168 = tpu.vector_load %arg8[%parallel_loop3A_166, %parallel_loop3A_167] {strides = array<i32>} : memref<64x128xf32, #tpu.memory_space<vmem>>, vector<16xf32>,
          tpu.vector_store %arg8[%parallel_loop3A_166, %parallel_loop3A_167], %parallel_loop3A_165 {strides = array<i32>} : memref<64x128xf32, #tpu.memory_space<vmem>>, vector<16xf32>,
        } {sc.loop_unroll_factor = 4 : i64, sc.parallel_access}
        %scan3A_50 = arith.constant 0 : i32
        %scan3A_51 = arith.constant 0 : i32
        %scan3A_52 = arith.constant 4 : i32
        %scan3A_53 = arith.addi %scan3A_51, %scan3A_52 : i32
        %scan3A_54 = arith.constant 1 : i32
        scf.for %scan3A_56 = %scan3A_51 to %scan3A_53 step %scan3A_54  : i32 {
          %mul3A_57 = arith.constant 64 : i32
          %mul3A_58 = arith.muli %scan3A_47, %mul3A_57 : i32
          %mul3A_59 = arith.constant 16 : i32
          %mul3A_60 = arith.muli %scan3A_56, %mul3A_59 : i32
          %add3A_61 = arith.addi %mul3A_58, %mul3A_60 : i32
          %iota3A = tpu.iota {dimensions = array<i32: 0>} : vector<16xi32>
          %add3A_62 = vector.broadcast %add3A_61 : i32 to vector<16xi32>
          %add3A_63 = arith.addi %add3A_62, %iota3A : vector<16xi32>
          %mul3A_64 = arith.constant 16 : i32
          %mul3A_65 = arith.muli %scan3A_56, %mul3A_64 : i32
          %swap3A = arith.index_cast %mul3A_65 : i32 to index
          %swap3A_66 = tpu.vector_load %arg10[%swap3A] {strides = array<i32>} : memref<64xi32, #tpu.memory_space<vmem>>, vector<16xi32>,
          tpu.vector_store %arg10[%swap3A], %add3A_63 {strides = array<i32>} : memref<64xi32, #tpu.memory_space<vmem>>, vector<16xi32>,
        }
        %scan3A_55 = arith.constant 4 : i32
        "tpu.region"() ({
          %run_scoped3A = tpu.sem_alloc : memref<!tpu.dma_semaphore, #tpu.memory_space<semaphore_mem>>
          %dma_start3A = arith.constant 0 : i32
          %dma_start3A_56 = arith.constant 0 : i32
          %dma_start3A_57 = tpu.memref_slice %arg12[%dma_start3A, %dma_start3A_56] : memref<128x128xf32, #tpu.memory_space<vmem_shared>> -> memref<128x128xf32, #tpu.memory_space<vmem_shared>>
          tpu.enqueue_indirect_dma source(%arg8 : memref<64x128xf32, #tpu.memory_space<vmem>>) target(%dma_start3A_57 : memref<128x128xf32, #tpu.memory_space<vmem_shared>>) offsets(%arg10 : memref<64xi32, #tpu.memory_space<vmem>>) semaphore(%run_scoped3A : memref<!tpu.dma_semaphore, #tpu.memory_space<semaphore_mem>>) {add = true}
          %dma_wait3A_58 = arith.constant 0 : i32
          %dma_wait3A_59 = arith.constant 0 : i32
          %dma_wait3A_60 = tpu.memref_slice %arg12[%dma_wait3A_58, %dma_wait3A_59] : memref<128x128xf32, #tpu.memory_space<vmem_shared>> -> memref<128x128xf32, #tpu.memory_space<vmem_shared>>
          tpu.wait_indirect_dma semaphore(%run_scoped3A : memref<!tpu.dma_semaphore, #tpu.memory_space<semaphore_mem>>) src(%arg8 : memref<64x128xf32, #tpu.memory_space<vmem>>) dst(%dma_wait3A_60 : memref<128x128xf32, #tpu.memory_space<vmem_shared>>)
          tpu.yield
        }) : () -> ()
      }
      %scan3A_46 = arith.constant 2 : i32
    } else {
    }
    %barrier3A_14 = arith.constant 0 : index
    tpu.barrier barrier_id(%barrier3A_14)
    %mul3A_15 = arith.constant 8 : i32
    %mul3A_16 = arith.muli %arg1, %mul3A_15 : i32
    %mul3A_17 = arith.constant 8 : i32
    %mul3A_18 = arith.muli %arg1, %mul3A_17 : i32
    "tpu.region"() ({
      %run_scoped3A = tpu.sem_alloc : memref<!tpu.dma_semaphore, #tpu.memory_space<semaphore_mem>>
      %dma_start3A = arith.constant 0 : i32
      %dma_start3A_19 = tpu.memref_slice %arg5[%arg0, %mul3A_18, %dma_start3A] : memref<2x128x128xf32, #tpu.memory_space<hbm>> -> memref<1x8x128xf32, #tpu.memory_space<hbm>>
      %dma_start3A_20 = tpu.memref_squeeze %dma_start3A_19 : memref<1x8x128xf32, #tpu.memory_space<hbm>> -> memref<8x128xf32, #tpu.memory_space<hbm>>
      %dma_start3A_21 = arith.constant 0 : i32
      %dma_start3A_22 = tpu.memref_slice %arg12[%mul3A_16, %dma_start3A_21] : memref<128x128xf32, #tpu.memory_space<vmem_shared>> -> memref<8x128xf32, #tpu.memory_space<vmem_shared>>
      tpu.enqueue_dma source(%dma_start3A_22 : memref<8x128xf32, #tpu.memory_space<vmem_shared>>) target(%dma_start3A_20 : memref<8x128xf32, #tpu.memory_space<hbm>>) target_semaphore(%run_scoped3A : memref<!tpu.dma_semaphore, #tpu.memory_space<semaphore_mem>>)
      %dma_wait3A = arith.constant 0 : i32
      %dma_wait3A_23 = tpu.memref_slice %arg5[%arg0, %mul3A_18, %dma_wait3A] : memref<2x128x128xf32, #tpu.memory_space<hbm>> -> memref<1x8x128xf32, #tpu.memory_space<hbm>>
      %dma_wait3A_24 = tpu.memref_squeeze %dma_wait3A_23 : memref<1x8x128xf32, #tpu.memory_space<hbm>> -> memref<8x128xf32, #tpu.memory_space<hbm>>
      %dma_wait3A_25 = arith.constant 0 : i32
      %dma_wait3A_26 = tpu.memref_slice %arg12[%mul3A_16, %dma_wait3A_25] : memref<128x128xf32, #tpu.memory_space<vmem_shared>> -> memref<8x128xf32, #tpu.memory_space<vmem_shared>>
      tpu.wait_dma2 semaphore(%run_scoped3A : memref<!tpu.dma_semaphore, #tpu.memory_space<semaphore_mem>>) src(%dma_wait3A_26 : memref<8x128xf32, #tpu.memory_space<vmem_shared>>) dst(%dma_wait3A_24 : memref<8x128xf32, #tpu.memory_space<hbm>>)
      tpu.yield
    }) : () -> ()
    return
  }
}

module attributes {stable_mosaic.version = 14 : i64} {
  func.func @_combine_body(%arg0: memref<2x128x128xf32, #tpu.memory_space<vmem>>, %arg1: memref<128x128xf32, #tpu.memory_space<vmem>>) attributes {dimension_semantics = [], scalar_prefetch = 0 : i64, scratch_operands = 0 : i64, tpu.core_type = #tpu.core_type<tc>} {
    %get3A = arith.constant 0 : index
    %get3A_0 = arith.constant 0 : index
    %get3A_1 = arith.constant 0 : index
    %get3A_2 = vector.load %arg0[%get3A, %get3A_0, %get3A_1] : memref<2x128x128xf32, #tpu.memory_space<vmem>>, vector<1x128x128xf32>
    %get3A_3 = vector.shape_cast %get3A_2 : vector<1x128x128xf32> to vector<128x128xf32>
    %get3A_4 = arith.constant 1 : index
    %get3A_5 = arith.constant 0 : index
    %get3A_6 = arith.constant 0 : index
    %get3A_7 = vector.load %arg0[%get3A_4, %get3A_5, %get3A_6] : memref<2x128x128xf32, #tpu.memory_space<vmem>>, vector<1x128x128xf32>
    %get3A_8 = vector.shape_cast %get3A_7 : vector<1x128x128xf32> to vector<128x128xf32>
    %add3A = arith.addf %get3A_3, %get3A_8 : vector<128x128xf32>
    %swap3A = arith.constant 0 : index
    %swap3A_9 = arith.constant 0 : index
    %swap3A_10 = vector.load %arg1[%swap3A, %swap3A_9] : memref<128x128xf32, #tpu.memory_space<vmem>>, vector<128x128xf32>
    tpu.vector_store %arg1[%swap3A, %swap3A_9], %add3A {strides = array<i32>} : memref<128x128xf32, #tpu.memory_space<vmem>>, vector<128x128xf32>,
    return
  }
}

</mosaic_0001>

<sc_bundles>
// kernel: kernel.4.cloned.1.call-start
scs
__scs_entry_jumppad:
0x0: {  	(pc) =	sbr.rel $0x88, $3  }
0x1: {  	(tag) =	ssettag $0x0;
	lr =	simm.s32 $0x1  }
0x2: {  	[smem:$0x3F9E] =	sst lr;
	_ =	strace $0xD0000000  }
0x3: {  	_ = 	snop  }
0x4: {  	_ = 	snop  }
0x5: {  	_ = 	snop  }
0x6: {  	_ = 	snop  }
0x7: {  	_ = 	snop  }
__scs_overlays_trampoline_lowered:
0x8: {  	[smem:$0x3FAD] =	sst s0  }
0x9: {  	[smem:$0x3FAE] =	sst s1  }
0xa: {  	[smem:$0x3FAF] =	sst s2  }
0xb: {  	[smem:$0x3FB0] =	sst s3  }
0xc: {  	[smem:$0x3FB1] =	sst s4  }
0xd: {  	[smem:$0x3FB2] =	sst s5  }
0xe: {  	[smem:$0x3FB3] =	sst s6  }
0xf: {  	[smem:$0x3FB4] =	sst s7  }
0x10: {  	[smem:$0x3FB5] =	sst s8  }
0x11: {  	[smem:$0x3FB6] =	sst s9;
	s0 =	simm.s32 @!p0 $0x0  }
0x12: {  	s1 =	sld [smem:$0x3F9C];
	s0 =	simm.s32 @p0 $0x1  }
0x13: {  	[smem:$0x3FB7] =	sst s0;
	s0 =	simm.s32 @!p1 $0x0  }
0x14: {  	s2 =	sld [smem:$0x3F9B];
	s0 =	simm.s32 @p1 $0x1  }
0x15: {  	[smem:$0x3FB8] =	sst s0;
	s0 =	simm.s32 @!p2 $0x0  }
0x16: {  	s3 =	sld [smem:$0x3FDB];
	s0 =	simm.s32 @p2 $0x1  }
0x17: {  	s4 =	simm.s32 $0x1BF5;
	[smem:$0x3FBA] =	sst s0  }
0x18: {  	s0 =	sld [smem:$0x3F9D];
	_ =	swait.ge [sflag:s4], $0x0  }
0x19: {  	s7 =	sld [smem:$0x3F9E]  }
0x1a: {  	s8 =	sadd.s32 $0xFFFFE003, lr  }
0x1b: {  	s9 =	sadd.s32 $0xFFFFFEF7, lr;
	s5 =	simm.s32 $0xFFFFFFFF;
	p2 =	slt.u32 s8, $0xFFFFF086  }
0x1c: {  	p1 =	slt.u32 s9, $0xF7A;
	s5 =	simm.s32 @!p2 $0x0  }
0x1d: {  	s5 =	simm.s32 @p1 $0x1;
	p0 =	seq.s32 s7, s2  }
0x1e: {  	s7 =	smul.u32 @!p0 $0xF7A, s2;
	p2 =	seq.s32 @!p0 s5, $0x0  }
0x1f: {  	s9 =	smul.u32 $0xF7A, s1;
	s8 =	simm.s32 @!p0 $0x1BF5;
	p2 =	por !p2, p0  }
0x20: {  	[sflag:s8] =	ssyncset.s32 @!p0 $0xFFFFF086;
	s6 =	sadd.s32 @!p0 s3, s7;
	s7 =	simm.s32 @!p0 $0x108  }
0x21: {  	s3 =	sadd.s32 s3, s9;
	s6 =	sadd.s32 @!p0 $0x88, s6;
	s7 =	simm.s32 @p2 $0x1082  }
0x22: {  	[simem:s7], [sflag:s8] =	dma.local @!p0 [hbm:s6], $0xF7A  }
0x23: {  	s9 =	sor.u32 $0xD0000000, s2;
	s6 =	simm.s32 $0x108;
	_ =	swait.ge @!p0 [sflag:s8], $0x0  }
0x24: {  	s3 =	sadd.s32 $0x88, s3;
	s6 =	simm.s32 @!p1 $0x1082;
	[sflag:s4] =	ssyncset.s32 $0xFFFFF086  }
0x25: {  	[simem:s6], [sflag:s4] =	dma.local [hbm:s3], $0xF7A  }
0x26: {  	[smem:$0x3F9E] =	sst s1;
	(tag) =	ssettag s2;
	_ =	strace s9  }
0x27: {  	s1 =	sld [smem:$0x3FAE]  }
0x28: {  	s2 =	sld [smem:$0x3FAF]  }
0x29: {  	s4 =	sld [smem:$0x3FB1]  }
0x2a: {  	p0 =	seq.s32 s5, $0x0;
	s5 =	sld [smem:$0x3FB2]  }
0x2b: {  	s6 =	sld [smem:$0x3FB3]  }
0x2c: {  	s7 =	sld [smem:$0x3FB4]  }
0x2d: {  	s3 =	simm.s32 $0x108;
	s8 =	sld [smem:$0x3FB5]  }
0x2e: {  	s3 =	simm.s32 @!p0 $0x1082;
	s9 =	sld [smem:$0x3FB6]  }
0x2f: {  	lr =	sadd.s32 s0, s3;
	s0 =	sld [smem:$0x3FAD]  }
0x30: {  	s3 =	sld [smem:$0x3FB0]  }
0x31: {  	[smem:$0x3FB9] =	sst s10  }
0x32: {  	s10 =	sld [smem:$0x3FB7];
	_ =	sdelay $0x3  }
0x33: {  	p0 =	seq.s32 s10, $0x1;
	s10 =	sld [smem:$0x3FB9];
	_ =	sdelay $0x3  }
0x34: {  	[smem:$0x3FB9] =	sst s10  }
0x35: {  	s10 =	sld [smem:$0x3FB8];
	_ =	sdelay $0x3  }
0x36: {  	p1 =	seq.s32 s10, $0x1;
	s10 =	sld [smem:$0x3FB9];
	_ =	sdelay $0x3  }
0x37: {  	[smem:$0x3FB9] =	sst s10  }
0x38: {  	s10 =	sld [smem:$0x3FBA]  }
0x39: {  	_ = 	snop;
	(pc) =	sbr.ind lr, $3  }
0x3a: {  	_ = 	snop  }
0x3b: {  	_ = 	snop  }
0x3c: {  	p2 =	seq.s32 s10, $0x1;
	s10 =	sld [smem:$0x3FB9]  }
0x3d: {  	_ =	shalt  }
0x3e: {  	_ =	shalt  }
0x3f: {  	_ =	shalt  }
0x40: {  	_ =	shalt  }
0x41: {  	_ =	shalt  }
0x42: {  	_ =	shalt  }
0x43: {  	_ =	shalt  }
0x44: {  	_ =	shalt  }
0x45: {  	_ =	shalt  }
0x46: {  	_ =	shalt  }
0x47: {  	_ =	shalt  }
0x48: {  	_ =	shalt  }
0x49: {  	_ =	shalt  }
0x4a: {  	_ =	shalt  }
0x4b: {  	_ =	shalt  }
0x4c: {  	_ =	shalt  }
0x4d: {  	_ =	shalt  }
0x4e: {  	_ =	shalt  }
0x4f: {  	_ =	shalt  }
0x50: {  	_ =	shalt  }
0x51: {  	_ =	shalt  }
0x52: {  	_ =	shalt  }
0x53: {  	_ =	shalt  }
0x54: {  	_ =	shalt  }
0x55: {  	_ =	shalt  }
0x56: {  	_ =	shalt  }
0x57: {  	_ =	shalt  }
0x58: {  	_ =	shalt  }
0x59: {  	_ =	shalt  }
0x5a: {  	_ =	shalt  }
0x5b: {  	_ =	shalt  }
0x5c: {  	_ =	shalt  }
0x5d: {  	_ =	shalt  }
0x5e: {  	_ =	shalt  }
0x5f: {  	_ =	shalt  }
0x60: {  	_ =	shalt  }
0x61: {  	_ =	shalt  }
0x62: {  	_ =	shalt  }
0x63: {  	_ =	shalt  }
0x64: {  	_ =	shalt  }
0x65: {  	_ =	shalt  }
0x66: {  	_ =	shalt  }
0x67: {  	_ =	shalt  }
0x68: {  	_ =	shalt  }
0x69: {  	_ =	shalt  }
0x6a: {  	_ =	shalt  }
0x6b: {  	_ =	shalt  }
0x6c: {  	_ =	shalt  }
0x6d: {  	_ =	shalt  }
0x6e: {  	_ =	shalt  }
0x6f: {  	_ =	shalt  }
0x70: {  	_ =	shalt  }
0x71: {  	_ =	shalt  }
0x72: {  	_ =	shalt  }
0x73: {  	_ =	shalt  }
0x74: {  	_ =	shalt  }
0x75: {  	_ =	shalt  }
0x76: {  	_ =	shalt  }
0x77: {  	_ =	shalt  }
0x78: {  	_ =	shalt  }
0x79: {  	_ =	shalt  }
0x7a: {  	_ =	shalt  }
0x7b: {  	_ =	shalt  }
0x7c: {  	_ =	shalt  }
0x7d: {  	_ =	shalt  }
0x7e: {  	_ =	shalt  }
0x7f: {  	_ =	shalt  }
0x80: {  	_ =	shalt  }
0x81: {  	_ =	shalt  }
0x82: {  	_ =	shalt  }
0x83: {  	_ =	shalt  }
0x84: {  	_ =	shalt  }
0x85: {  	_ =	shalt  }
0x86: {  	_ =	shalt  }
0x87: {  	_ =	shalt  }
.Lfunc_end0:
.L_simem_size_0:
called_computation_lowered:
.L_overlay_start_0:
0x88: {  	s2 =	sld [smem:$0x3FD9]  }
0x89: {  	s3 =	sld [smem:$0x3FFE];
	_ =	sdelay $0x1  }
0x8a: {  	s1 =	srdreg.scid  }
0x8b: {  	s0 =	sand.u32 $0x1, s1  }
0x8c: {  	s17 =	sshll.u32 s0, $0xA;
	s2 =	sadd.s32 s3, s2  }
0x8d: {  	s2 =	sadd.s32 s2, s17  }
0x8e: {  	[smem:$0x3FC5] =	sst s2  }
0x8f: {  	_ = 	snop  }
0x90: {  	s2 =	sld [smem:$0x3FC9]  }
0x91: {  	s18 =	sld [smem:$0x3FC8]  }
0x92: {  	s4 =	sld [smem:$0x3FC7];
	(tm) =	ssettm $0x1  }
0x93: {  	s5 =	sld [smem:$0x3FFB];
	_ =	sdelay $0x3  }
0x94: {  	_ =	strace s5  }
0x95: {  	s5 =	sld [smem:$0x3FFC];
	_ =	sdelay $0x3  }
0x96: {  	_ =	strace s5  }
0x97: {  	s5 =	sld [smem:$0x3FFD];
	_ =	sdelay $0x3  }
0x98: {  	_ =	strace s5  }
0x99: {  	_ =	strace $0x8FFFFFFF  }
0x9a: {  	s19 =	sld [smem:$0x3FDB];
	_ =	sdelay $0x1  }
0x9b: {  	s6 =	simm.s32 $_scs_section_size  }
0x9c: {  	s7 =	simm.s32 $_size__tile_overlayer_lowered;
	s8 =	simm.s32 $_tile_overlayer_lowered  }
0x9d: {  	s22 =	simm.s32 $0x1BFF;
	s21 =	sshll.u32 s8, $0x1;
	s5 =	sadd.s32 s6, s19  }
0x9e: {  	s9 =	simm.s32 $0x0;
	s20 =	sshll.u32 s7, $0x1;
	s7 =	sadd.s32 s21, s5  }
0x9f: {  	[timem:s9], [sflag:s22] =	dma.local [hbm:s7], s20  }
0xa0: {  	_ =	swait.ge [sflag:s22], s20  }
0xa1: {  	s6 =	ssub.s32 $0x0, s20;
	[sflag:s22] =	ssyncset.done $0x0  }
0xa2: {  	[sflag:s22] =	ssyncadd.s32 s6;
	_ =	sdelay $0x1  }
0xa3: {  	s23 =	simm.s32 $0x1B8B  }
0xa4: {  	_ =	swait.ge [sflag:s23], $0x1  }
0xa5: {  	[sflag:s23] =	ssyncset.done $0x0  }
0xa6: {  	s25 =	simm.s32 $0x1B8E;
	s24 =	sld [smem:$0x3FFE];
	[sflag:s23] =	ssyncadd.s32 $0xFFFFFFFF  }
0xa7: {  	s26 =	simm.s32 $execute0_lowered;
	[smem:$0x3FD2] =	sst s25  }
0xa8: {  	s7 =	sshll.u32 s26, $0x1;
	_ =	strace $0x80000046;
	[dreg:$0x1] =	wrdreg $0xFFFFFFFF  }
0xa9: {  	s28 =	simm.s32 $_size_execute0_lowered;
	s5 =	sadd.s32 s5, s7;
	[dreg:$0x0] =	wrdreg $0x0  }
0xaa: {  	s7 =	sshll.u32 s28, $0x1;
	[dreg:$0x2] =	wrdreg s5  }
0xab: {  	[dreg:$0x3] =	wrdreg s7  }
0xac: {  	[dreg:$0x4] =	wrdreg $0xC0  }
0xad: {  	_ =	task [dreg:s9], $0x5FFFF  }
0xae: {  	[dreg:$0x1] =	wrdreg $0xFFFFFFFF  }
0xaf: {  	[dreg:$0x0] =	wrdreg $0x60  }
0xb0: {  	[dreg:$0x2] =	wrdreg s18  }
0xb1: {  	[dreg:$0x3] =	wrdreg s2  }
0xb2: {  	[dreg:$0x4] =	wrdreg s4  }
0xb3: {  	[dreg:$0x5] =	wrdreg s24  }
0xb4: {  	[dreg:$0x6] =	wrdreg $0x1EC000  }
0xb5: {  	[dreg:$0x7] =	wrdreg $0x9  }
0xb6: {  	_ =	task.clear_ibuf [dreg:s9], $0x8FFFF;
	_ =	strace $0x90000046  }
0xb7: {  	s29 =	simm.s32 $0x9;
	_ =	strace $0x80000048  }
0xb8: {  	_ =	swait.ge [sflag:s29], $0x1  }
0xb9: {  	[sflag:s29] =	ssyncadd.s32 $0xFFFFFFFF  }
0xba: {  	_ =	strace $0x90000048  }
0xbb: {  	_ =	sfence  }
0xbc: {  	s30 =	sld [smem:$0x0];
	_ =	sdelay $0x2  }
0xbd: {  	s31 =	sshll.u32 s1, $0xD;
	s1 =	sshrl.u32 s1, $0x2  }
0xbe: {  	s3 =	sand.u32 $0x4000, s31;
	s1 =	sadd.s32 s1, s30  }
0xbf: {  	s0 =	sor.u32 s3, s0;
	s1 =	sshll.u32 s1, $0x11  }
0xc0: {  	s0 =	sor.u32 s1, s0  }
0xc1: {  	s0 =	sadd.s32 $0x8F2B, s0  }
0xc2: {  	[sflag:s0] =	ssyncadd.remote.s32 $0x1  }
0xc3: {  	_ =	sfence.sel $0xFFFF  }
0xc4: {  	[dreg:$0x0] =	wrdreg $0xFFFFFFFF;
	(pc) =	sbr.abs _section_cstart, $3  }
0xc5: {  	[dreg:$0x1] =	wrdreg $0xFFFFFFFF  }
0xc6: {  	_ =	task.clear_ibuf [dreg:s9], $0x2FFFF;
	_ =	strace $0x9FFFFFFF  }
0xc7: {  	(tm) =	ssettm $0x7FFFFFFF  }
tec
execute0_lowered:
.L_overlay_start_1:
0x0: {  	(tag) =	ssettag $0x1  }
0x1: {  	s6 =	rddreg [dreg:$0x0]  }
0x2: {  	s5 =	rddreg [dreg:$0x1]  }
0x3: {  	s1 =	rddreg [dreg:$0x2]  }
0x4: {  	s7 =	rddreg [dreg:$0x3]  }
0x5: {  	s0 =	srdreg.scid;
	s2 =	rddreg [dreg:$0x4]  }
0x6: {  	s4 =	simm.s32 $0x0;
	s3 =	stileid.u32;
	s15 =	simm.s32 $0x1  }
0x7: {  	s16 =	simm.s32 $0x40;
	s8 =	sand.u32 $0x1, s0;
	s0 =	rddreg [dreg:$0x5]  }
0x8: {  	s18 =	simm.s32 $0x1C700;
	s19 =	simm.s32 $0x0;
	[smem:$0x7FF] =	sst s4  }
0x9: {  	s28 =	sshll.u32 s3, $0x7;
	s31 =	sshll.u32 s3, $0xA;
	p0 =	sgt.u32 s3, $0xC  }
0xa: {  	s9 =	smul.u32 $0xD, s8;
	_ =	strace $0x80000047;
	s12 =	ssub.s32 $0x2, s8  }
0xb: {  	s7 =	sadd.s32 s28, s7;
	s8 =	sshll.u32 s8, $0xB;
	s14 =	sshrl.u32 s12, $0x1  }
0xc: {  	s8 =	sadd.s32 s8, s7;
	s7 =	sadd.s32 s31, s2;
	s17 =	sadd.s32 s3, s9  }
0xd: {  	s29 =	ssub.s32 s12, s14;
	s8 =	sadd.s32 $0x600, s8;
	s10 =	sshrl.u32 s17, $0x3  }
0xe: {  	s11 =	sshll.u32 s17, $0x7;
	s13 =	sshll.u32 s10, $0x11;
	s10 =	smul.u32 $0xC3800, s10  }
.Ltmp0:
0xf: {  	s12 =	simm.s32 $0x3;
	s11 =	sand.u32 $0x380, s11;
	(pc) =	sbr.rel .LBB2_1-.Ltmp0, $4  }
0x10: {  	s14 =	simm.s32 $0x2;
	s9 =	smax.u32 s29, $0x1;
	s13 =	sor.u32 s11, s13  }
0x11: {  	v0 =	vmov s17;
	s17 =	simm.s32 $0x1E780;
	s30 =	sshrl.u32 s13, $0x3;
	s10 =	sor.u32 s11, s10  }
0x12: {  	s11 =	simm.s32 $0x4;
	s13 =	simm.s32 $0x1E700;
	s10 =	sshrl.u32 s10, $0x3  }
0x13: {  	v1 =	vimm.f32 $0.0e+00;
	v2 =	vlaneseq.u32;
	s5 =	sadd.s32 s5, s30;
	s6 =	sadd.s32 s6, s10;
	s10 =	simm.s32 $0x1E800  }
.LBB2_6:
0x14: {  	s19 =	sadd.s32 $0x1, s19  }
0x15: {  	s20 =	sshll.u32 s3, $0x6;
	[bflag:$0x0] =	sbarrier.arrive $0xFFFF;
	p1 =	sne.s32 s19, s9  }
.Ltmp1:
0x16: {  	s21 =	sshrl.u32 s7, $0x3;
	s20 =	sor.u32 $0x1C04, s20;
	(pc) =	sbr.rel @!p1 .LBB2_7-.Ltmp1, $4  }
0x17: {  	[hbm:s8], [sflag:s20] =	dma.local [spmem:s21], $0x80  }
0x18: {  	_ =	swait.ge [sflag:s11], $0x80  }
0x19: {  	[sflag:s11] =	ssyncset.done $0x0  }
0x1a: {  	[sflag:s11] =	ssyncadd.s32 $0xFFFFFF80  }
.LBB2_1:
0x1b: {  	s20 =	simm.s32 @!p0 $0x80;
	s21 =	simm.s32 @!p0 $0x400;
	s22 =	simm.s32 @!p0 $0x18700  }
0x1c: {  	[tilespmem:s22], [sflag:$0x2] =	stream.strided.gather @!p0 [hbm4b:s5+s20], $0x4000, s21, s20, $0x38;
	[tilespmem:$0x1F000] =	vst v63  }
0x1d: {  	s22 =	simm.s32 @!p0 $0x0  }
0x1e: {  	[tilespmem:s22], [sflag:$0x1] =	stream.strided.gather @!p0 [hbm4b:s6+s20], $0x18700, s21, s20, $0x38;
	[tilespmem:$0x1F000] =	vst v63  }
0x1f: {  	s20 =	simm.s32 @!p0 $0x1E700  }
0x20: {  	[tilespmem:s20], [sflag:$0x3] =	stream.linear.gather @!p0 [hbm4b:s1+s22], $0x80, $0x38;
	[tilespmem:$0x1F000] =	vst v63  }
0x21: {  	[tilespmem:$0x1E800] =	vst v1  }
0x22: {  	[tilespmem:$0x1E810] =	vst v1  }
0x23: {  	[tilespmem:$0x1E820] =	vst v1  }
0x24: {  	[tilespmem:$0x1E830] =	vst v1  }
0x25: {  	[tilespmem:$0x1E840] =	vst v1  }
0x26: {  	[tilespmem:$0x1E850] =	vst v1  }
0x27: {  	[tilespmem:$0x1E860] =	vst v1  }
0x28: {  	[tilespmem:$0x1E870] =	vst v1  }
0x29: {  	[tilespmem:$0x1E880] =	vst v1  }
0x2a: {  	[tilespmem:$0x1E890] =	vst v1  }
0x2b: {  	[tilespmem:$0x1E8A0] =	vst v1  }
0x2c: {  	[tilespmem:$0x1E8B0] =	vst v1  }
0x2d: {  	[tilespmem:$0x1E8C0] =	vst v1  }
0x2e: {  	[tilespmem:$0x1E8D0] =	vst v1  }
0x2f: {  	[tilespmem:$0x1E8E0] =	vst v1  }
0x30: {  	[tilespmem:$0x1E8F0] =	vst v1  }
0x31: {  	[tilespmem:$0x1E900] =	vst v1  }
0x32: {  	[tilespmem:$0x1E910] =	vst v1  }
0x33: {  	[tilespmem:$0x1E920] =	vst v1  }
0x34: {  	[tilespmem:$0x1E930] =	vst v1  }
0x35: {  	[tilespmem:$0x1E940] =	vst v1  }
0x36: {  	[tilespmem:$0x1E950] =	vst v1  }
0x37: {  	[tilespmem:$0x1E960] =	vst v1  }
0x38: {  	[tilespmem:$0x1E970] =	vst v1  }
0x39: {  	[tilespmem:$0x1E980] =	vst v1  }
0x3a: {  	[tilespmem:$0x1E990] =	vst v1  }
0x3b: {  	[tilespmem:$0x1E9A0] =	vst v1  }
0x3c: {  	[tilespmem:$0x1E9B0] =	vst v1  }
0x3d: {  	[tilespmem:$0x1E9C0] =	vst v1  }
0x3e: {  	[tilespmem:$0x1E9D0] =	vst v1  }
0x3f: {  	[tilespmem:$0x1E9E0] =	vst v1  }
0x40: {  	[tilespmem:$0x1E9F0] =	vst v1  }
0x41: {  	[tilespmem:$0x1EA00] =	vst v1  }
0x42: {  	[tilespmem:$0x1EA10] =	vst v1  }
0x43: {  	[tilespmem:$0x1EA20] =	vst v1  }
0x44: {  	[tilespmem:$0x1EA30] =	vst v1  }
0x45: {  	[tilespmem:$0x1EA40] =	vst v1  }
0x46: {  	[tilespmem:$0x1EA50] =	vst v1  }
0x47: {  	[tilespmem:$0x1EA60] =	vst v1  }
0x48: {  	[tilespmem:$0x1EA70] =	vst v1  }
0x49: {  	[tilespmem:$0x1EA80] =	vst v1  }
0x4a: {  	[tilespmem:$0x1EA90] =	vst v1  }
0x4b: {  	[tilespmem:$0x1EAA0] =	vst v1  }
0x4c: {  	[tilespmem:$0x1EAB0] =	vst v1  }
0x4d: {  	[tilespmem:$0x1EAC0] =	vst v1  }
0x4e: {  	[tilespmem:$0x1EAD0] =	vst v1  }
0x4f: {  	[tilespmem:$0x1EAE0] =	vst v1  }
0x50: {  	[tilespmem:$0x1EAF0] =	vst v1  }
0x51: {  	[tilespmem:$0x1EB00] =	vst v1  }
0x52: {  	[tilespmem:$0x1EB10] =	vst v1  }
0x53: {  	[tilespmem:$0x1EB20] =	vst v1  }
0x54: {  	[tilespmem:$0x1EB30] =	vst v1  }
0x55: {  	[tilespmem:$0x1EB40] =	vst v1  }
0x56: {  	[tilespmem:$0x1EB50] =	vst v1  }
0x57: {  	[tilespmem:$0x1EB60] =	vst v1  }
0x58: {  	[tilespmem:$0x1EB70] =	vst v1  }
0x59: {  	[tilespmem:$0x1EB80] =	vst v1  }
0x5a: {  	[tilespmem:$0x1EB90] =	vst v1  }
0x5b: {  	[tilespmem:$0x1EBA0] =	vst v1  }
0x5c: {  	[tilespmem:$0x1EBB0] =	vst v1  }
0x5d: {  	[tilespmem:$0x1EBC0] =	vst v1  }
0x5e: {  	[tilespmem:$0x1EBD0] =	vst v1  }
0x5f: {  	[tilespmem:$0x1EBE0] =	vst v1  }
0x60: {  	[tilespmem:$0x1EBF0] =	vst v1  }
0x61: {  	[spmem:s7] =	stream.linear.scatter [tilespmem:s10], [sflag:$0x4], $0x400, $0x38;
	[tilespmem:$0x1F000] =	vst v63  }
.Ltmp2:
0x62: {  	_ =	swait.ge [sflag:s11], $0x400;
	(pc) =	sbr.rel @p0 .LBB2_6-.Ltmp2, $3  }
0x63: {  	[sflag:s11] =	ssyncset.done $0x0  }
0x64: {  	[sflag:s11] =	ssyncadd.s32 $0xFFFFFC00  }
0x65: {  	[bflag:$0x0] =	sbarrier.arrive $0xFFFF;
	_ =	sdelay $0x1  }
0x66: {  	_ = 	snop  }
0x67: {  	_ =	swait.ge [sflag:s12], $0x80  }
0x68: {  	[sflag:s12] =	ssyncset.done $0x0  }
0x69: {  	[sflag:s12] =	ssyncadd.s32 $0xFFFFFF80  }
0x6a: {  	v3 =	vld.idx.msk [tilespmem:v0+s13+$0x0], $0xffff;
	_ =	sdelay $0x4  }
0x6b: {  	v3 =	vadd.f32 v3, v3;
	_ =	sdelay $0x1  }
0x6c: {  	v3 =	vmul.f32 $1.442695020e+00, v3;
	_ =	sdelay $0x1  }
0x6d: {  	(erf) = vpow2.f32 v3;
	_ =	sdelay $0x8  }
0x6e: {  	v3 =	vpop (erf)  }
0x6f: {  	v3 =	vadd.f32 $1.000000000e+00, v3;
	_ =	sdelay $0x1  }
0x70: {  	(erf) = vrcp.f32 v3;
	_ =	sdelay $0x8  }
0x71: {  	v3 =	vpop (erf)  }
0x72: {  	_ =	swait.ge [sflag:s14], $0x4000  }
0x73: {  	[sflag:s14] =	ssyncset.done $0x0  }
0x74: {  	[sflag:s14] =	ssyncadd.s32 $0xFFFFC000  }
0x75: {  	v3 =	vadd.f32 v3, v3;
	_ =	swait.ge [sflag:s15], $0x18700  }
0x76: {  	[sflag:s15] =	ssyncset.done $0x0  }
0x77: {  	s20 =	simm.s32 $0x0;
	p2 =	por $0x1, $0x1;
	v3 =	vsub.f32 $1.000000000e+00, v3;
	[sflag:s15] =	ssyncadd.s32 $0xFFFE7900  }
.LBB2_3:
0x78: {  	s21 =	sshll.u32 s20, $0xD  }
0x79: {  	s21 =	sand.u32 $0x3FFFE000, s21  }
0x7a: {  	s24 =	sadd.s32 $0x18800, s21  }
0x7b: {  	v4 =	vld [tilespmem:s24+$0x80]  }
0x7c: {  	v5 =	vld [tilespmem:s24+$0xFFFFFF80];
	_ =	sdelay $0x1  }
0x7d: {  	v7 =	vld [tilespmem:s24+$0xFFFFFF00]  }
0x7e: {  	v6 =	vld [tilespmem:s24+$0x0];
	_ =	sdelay $0x3  }
0x7f: {  	v4 =	vld.idx.msk [tilespmem:v4+s4+$0x0], $0xffff  }
0x80: {  	v5 =	vld.idx.msk [tilespmem:v5+s4+$0x0], $0xffff;
	_ =	sdelay $0x1  }
0x81: {  	v7 =	vld.idx.msk [tilespmem:v7+s4+$0x0], $0xffff  }
0x82: {  	v6 =	vld.idx.msk [tilespmem:v6+s4+$0x0], $0xffff  }
0x83: {  	v4 =	vmul.f32 v4, v3  }
0x84: {  	s21 =	simm.s32 $0x1C800;
	v5 =	vmul.f32 v5, v3  }
0x85: {  	[tilespmem:s21+$0x80] =	vst v4  }
0x86: {  	v4 =	vmul.f32 v7, v3;
	[tilespmem:s21+$0xFFFFFF80] =	vst v5;
	v5 =	vld [tilespmem:s24+$0x90]  }
0x87: {  	v6 =	vmul.f32 v6, v3;
	v7 =	vld [tilespmem:s24+$0xFFFFFF90]  }
0x88: {  	[tilespmem:s21+$0xFFFFFF00] =	vst v4  }
0x89: {  	[tilespmem:s21+$0x0] =	vst v6;
	v6 =	vld [tilespmem:s24+$0xFFFFFF10];
	_ =	sdelay $0x2  }
0x8a: {  	v4 =	vld [tilespmem:s24+$0x10];
	_ =	sdelay $0x1  }
0x8b: {  	v5 =	vld.idx.msk [tilespmem:v5+s4+$0x0], $0xffff  }
0x8c: {  	v7 =	vld.idx.msk [tilespmem:v7+s4+$0x0], $0xffff;
	_ =	sdelay $0x1  }
0x8d: {  	v6 =	vld.idx.msk [tilespmem:v6+s4+$0x0], $0xffff;
	_ =	sdelay $0x1  }
0x8e: {  	v5 =	vmul.f32 v5, v3  }
0x8f: {  	v4 =	vld.idx.msk [tilespmem:v4+s4+$0x0], $0xffff;
	v7 =	vmul.f32 v7, v3  }
0x90: {  	[tilespmem:s21+$0x90] =	vst v5  }
0x91: {  	v5 =	vmul.f32 v6, v3;
	[tilespmem:s21+$0xFFFFFF90] =	vst v7;
	v6 =	vld [tilespmem:s24+$0xA0]  }
0x92: {  	v7 =	vld [tilespmem:s24+$0xFFFFFFA0];
	_ =	sdelay $0x1  }
0x93: {  	v4 =	vmul.f32 v4, v3;
	_ =	sdelay $0x1  }
0x94: {  	[tilespmem:s21+$0x10] =	vst v4  }
0x95: {  	[tilespmem:s21+$0xFFFFFF10] =	vst v5;
	v4 =	vld [tilespmem:s24+$0x20]  }
0x96: {  	v5 =	vld [tilespmem:s24+$0xFFFFFF20]  }
0x97: {  	v6 =	vld.idx.msk [tilespmem:v6+s4+$0x0], $0xffff  }
0x98: {  	v7 =	vld.idx.msk [tilespmem:v7+s4+$0x0], $0xffff;
	_ =	sdelay $0x3  }
0x99: {  	v6 =	vmul.f32 v6, v3  }
0x9a: {  	v4 =	vld.idx.msk [tilespmem:v4+s4+$0x0], $0xffff;
	v7 =	vmul.f32 v7, v3  }
0x9b: {  	v5 =	vld.idx.msk [tilespmem:v5+s4+$0x0], $0xffff;
	[tilespmem:s21+$0xA0] =	vst v6  }
0x9c: {  	[tilespmem:s21+$0xFFFFFFA0] =	vst v7;
	v6 =	vld [tilespmem:s24+$0xB0]  }
0x9d: {  	s22 =	sadd.s32 $0x200, s24;
	v7 =	vld [tilespmem:s24+$0xFFFFFFB0]  }
0x9e: {  	v8 =	vld [tilespmem:s22+$0x80]  }
0x9f: {  	v9 =	vld [tilespmem:s22+$0xFFFFFF80];
	v4 =	vmul.f32 v4, v3  }
0xa0: {  	v10 =	vld [tilespmem:s22+$0x0];
	v5 =	vmul.f32 v5, v3  }
0xa1: {  	v11 =	vld [tilespmem:s22+$0xFFFFFF00];
	[tilespmem:s21+$0x20] =	vst v4  }
0xa2: {  	[tilespmem:s21+$0xFFFFFF20] =	vst v5;
	v4 =	vld [tilespmem:s24+$0x30]  }
0xa3: {  	v5 =	vld [tilespmem:s24+$0xFFFFFF30]  }
0xa4: {  	v6 =	vld.idx.msk [tilespmem:v6+s4+$0x0], $0xffff  }
0xa5: {  	v7 =	vld.idx.msk [tilespmem:v7+s4+$0x0], $0xffff  }
0xa6: {  	v8 =	vld.idx.msk [tilespmem:v8+s4+$0x0], $0xffff  }
0xa7: {  	v9 =	vld.idx.msk [tilespmem:v9+s4+$0x0], $0xffff  }
0xa8: {  	v10 =	vld.idx.msk [tilespmem:v10+s4+$0x0], $0xffff  }
0xa9: {  	v11 =	vld.idx.msk [tilespmem:v11+s4+$0x0], $0xffff;
	v6 =	vmul.f32 v6, v3  }
0xaa: {  	v4 =	vld.idx.msk [tilespmem:v4+s4+$0x0], $0xffff;
	v7 =	vmul.f32 v7, v3  }
0xab: {  	v8 =	vmul.f32 v8, v3;
	v5 =	vld.idx.msk [tilespmem:v5+s4+$0x0], $0xffff;
	[tilespmem:s21+$0xB0] =	vst v6  }
0xac: {  	s23 =	simm.s32 $0x1CA00;
	v9 =	vmul.f32 v9, v3;
	[tilespmem:s21+$0xFFFFFFB0] =	vst v7;
	v6 =	vld [tilespmem:s24+$0xC0]  }
0xad: {  	v10 =	vmul.f32 v10, v3;
	[tilespmem:s23+$0x80] =	vst v8;
	v7 =	vld [tilespmem:s24+$0xFFFFFFC0]  }
0xae: {  	v8 =	vmul.f32 v11, v3;
	[tilespmem:s23+$0xFFFFFF80] =	vst v9  }
0xaf: {  	[tilespmem:s23+$0x0] =	vst v10;
	v4 =	vmul.f32 v4, v3  }
0xb0: {  	v9 =	vld [tilespmem:s22+$0x90];
	[tilespmem:s23+$0xFFFFFF00] =	vst v8;
	v5 =	vmul.f32 v5, v3  }
0xb1: {  	v10 =	vld [tilespmem:s22+$0xFFFFFF10];
	[tilespmem:s21+$0x30] =	vst v4  }
0xb2: {  	[tilespmem:s21+$0xFFFFFF30] =	vst v5;
	v4 =	vld [tilespmem:s24+$0x40]  }
0xb3: {  	v5 =	vld [tilespmem:s24+$0xFFFFFF40]  }
0xb4: {  	v6 =	vld.idx.msk [tilespmem:v6+s4+$0x0], $0xffff  }
0xb5: {  	v7 =	vld.idx.msk [tilespmem:v7+s4+$0x0], $0xffff  }
0xb6: {  	v11 =	vld [tilespmem:s22+$0xFFFFFF90]  }
0xb7: {  	v8 =	vld [tilespmem:s22+$0x10]  }
0xb8: {  	v9 =	vld.idx.msk [tilespmem:v9+s4+$0x0], $0xffff  }
0xb9: {  	v10 =	vld.idx.msk [tilespmem:v10+s4+$0x0], $0xffff;
	v6 =	vmul.f32 v6, v3  }
0xba: {  	v4 =	vld.idx.msk [tilespmem:v4+s4+$0x0], $0xffff;
	v7 =	vmul.f32 v7, v3  }
0xbb: {  	v5 =	vld.idx.msk [tilespmem:v5+s4+$0x0], $0xffff;
	[tilespmem:s21+$0xC0] =	vst v6  }
0xbc: {  	[tilespmem:s21+$0xFFFFFFC0] =	vst v7;
	v6 =	vld [tilespmem:s24+$0xD0]  }
0xbd: {  	v7 =	vld [tilespmem:s24+$0xFFFFFFD0]  }
0xbe: {  	v11 =	vld.idx.msk [tilespmem:v11+s4+$0x0], $0xffff;
	v9 =	vmul.f32 v9, v3  }
0xbf: {  	v8 =	vld.idx.msk [tilespmem:v8+s4+$0x0], $0xffff;
	v4 =	vmul.f32 v4, v3  }
0xc0: {  	[tilespmem:s23+$0x90] =	vst v9;
	v5 =	vmul.f32 v5, v3  }
0xc1: {  	v9 =	vmul.f32 v10, v3;
	v10 =	vld [tilespmem:s22+$0xA0];
	[tilespmem:s21+$0x40] =	vst v4  }
0xc2: {  	[tilespmem:s21+$0xFFFFFF40] =	vst v5;
	v4 =	vld [tilespmem:s24+$0x50]  }
0xc3: {  	v11 =	vmul.f32 v11, v3;
	v5 =	vld [tilespmem:s24+$0xFFFFFF50]  }
0xc4: {  	v8 =	vmul.f32 v8, v3;
	v6 =	vld.idx.msk [tilespmem:v6+s4+$0x0], $0xffff  }
0xc5: {  	[tilespmem:s23+$0xFFFFFF90] =	vst v11;
	v7 =	vld.idx.msk [tilespmem:v7+s4+$0x0], $0xffff  }
0xc6: {  	v11 =	vld [tilespmem:s22+$0xFFFFFFA0];
	[tilespmem:s23+$0x10] =	vst v8  }
0xc7: {  	[tilespmem:s23+$0xFFFFFF10] =	vst v9;
	v8 =	vld [tilespmem:s22+$0x20]  }
0xc8: {  	v9 =	vld [tilespmem:s22+$0xFFFFFF20]  }
0xc9: {  	v10 =	vld.idx.msk [tilespmem:v10+s4+$0x0], $0xffff;
	v6 =	vmul.f32 v6, v3  }
0xca: {  	v4 =	vld.idx.msk [tilespmem:v4+s4+$0x0], $0xffff;
	v7 =	vmul.f32 v7, v3  }
0xcb: {  	v5 =	vld.idx.msk [tilespmem:v5+s4+$0x0], $0xffff;
	[tilespmem:s21+$0xD0] =	vst v6  }
0xcc: {  	[tilespmem:s21+$0xFFFFFFD0] =	vst v7;
	v6 =	vld [tilespmem:s24+$0xE0]  }
0xcd: {  	v7 =	vld [tilespmem:s24+$0xFFFFFFE0]  }
0xce: {  	v11 =	vld.idx.msk [tilespmem:v11+s4+$0x0], $0xffff;
	v10 =	vmul.f32 v10, v3  }
0xcf: {  	v8 =	vld.idx.msk [tilespmem:v8+s4+$0x0], $0xffff;
	v4 =	vmul.f32 v4, v3  }
0xd0: {  	v9 =	vld.idx.msk [tilespmem:v9+s4+$0x0], $0xffff;
	[tilespmem:s23+$0xA0] =	vst v10;
	v5 =	vmul.f32 v5, v3  }
0xd1: {  	v10 =	vld [tilespmem:s22+$0xB0];
	[tilespmem:s21+$0x50] =	vst v4  }
0xd2: {  	[tilespmem:s21+$0xFFFFFF50] =	vst v5;
	v4 =	vld [tilespmem:s24+$0x60]  }
0xd3: {  	v11 =	vmul.f32 v11, v3;
	v5 =	vld [tilespmem:s24+$0xFFFFFF60]  }
0xd4: {  	v8 =	vmul.f32 v8, v3;
	v6 =	vld.idx.msk [tilespmem:v6+s4+$0x0], $0xffff  }
0xd5: {  	v9 =	vmul.f32 v9, v3;
	[tilespmem:s23+$0xFFFFFFA0] =	vst v11;
	v7 =	vld.idx.msk [tilespmem:v7+s4+$0x0], $0xffff  }
0xd6: {  	v12 =	vld [tilespmem:s22+$0xFFFFFFB0];
	[tilespmem:s23+$0x20] =	vst v8  }
0xd7: {  	[tilespmem:s23+$0xFFFFFF20] =	vst v9;
	v8 =	vld [tilespmem:s22+$0x30]  }
0xd8: {  	v13 =	vld [tilespmem:s22+$0xFFFFFF30]  }
0xd9: {  	v6 =	vmul.f32 v6, v3  }
0xda: {  	v4 =	vld.idx.msk [tilespmem:v4+s4+$0x0], $0xffff;
	v7 =	vmul.f32 v7, v3  }
0xdb: {  	v5 =	vld.idx.msk [tilespmem:v5+s4+$0x0], $0xffff;
	[tilespmem:s21+$0xE0] =	vst v6  }
0xdc: {  	[tilespmem:s21+$0xFFFFFFE0] =	vst v7;
	v7 =	vld [tilespmem:s24+$0xF0]  }
0xdd: {  	v11 =	vld.idx.msk [tilespmem:v10+s4+$0x0], $0xffff  }
0xde: {  	v9 =	vld.idx.msk [tilespmem:v12+s4+$0x0], $0xffff  }
0xdf: {  	v8 =	vld.idx.msk [tilespmem:v8+s4+$0x0], $0xffff;
	v4 =	vmul.f32 v4, v3  }
0xe0: {  	v10 =	vld.idx.msk [tilespmem:v13+s4+$0x0], $0xffff;
	v6 =	vmul.f32 v5, v3  }
0xe1: {  	v5 =	vld [tilespmem:s24+$0xFFFFFFF0];
	[tilespmem:s21+$0x60] =	vst v4  }
0xe2: {  	[tilespmem:s21+$0xFFFFFF60] =	vst v6;
	v4 =	vld [tilespmem:s24+$0x70]  }
0xe3: {  	p1 =	por p2, p2;
	v6 =	vld [tilespmem:s24+$0xFFFFFF70]  }
0xe4: {  	s25 =	simm.s32 $0x4;
	s26 =	sadd.s32 $0x200, s22;
	s24 =	simm.s32 $0x1CA00;
	v7 =	vld.idx.msk [tilespmem:v7+s4+$0x0], $0xffff  }
.LBB2_4:
0xe5: {  	v12 =	vld [tilespmem:s26+$0x80];
	s25 =	sadd.s32 $0x4, s25  }
0xe6: {  	v11 =	vmul.f32 v11, v3;
	v13 =	vld [tilespmem:s26+$0xFFFFFF80];
	p2 =	slt.u32 s25, $0x3C  }
0xe7: {  	v9 =	vmul.f32 v9, v3;
	v14 =	vld [tilespmem:s26+$0x0]  }
0xe8: {  	v8 =	vmul.f32 v8, v3;
	v15 =	vld [tilespmem:s26+$0xFFFFFF00];
	[tilespmem:s23+$0xB0] =	vst v11  }
0xe9: {  	v10 =	vmul.f32 v10, v3;
	[tilespmem:s23+$0xFFFFFFB0] =	vst v9;
	v9 =	vld [tilespmem:s22+$0xC0]  }
0xea: {  	v7 =	vmul.f32 v7, v3;
	v11 =	vld [tilespmem:s22+$0xFFFFFFC0];
	[tilespmem:s23+$0x30] =	vst v8  }
0xeb: {  	[tilespmem:s23+$0xFFFFFF30] =	vst v10;
	v8 =	vld [tilespmem:s22+$0x40]  }
0xec: {  	v10 =	vld [tilespmem:s22+$0xFFFFFF40];
	[tilespmem:s21+$0xF0] =	vst v7  }
0xed: {  	v7 =	vld.idx.msk [tilespmem:v12+s4+$0x0], $0xffff  }
0xee: {  	v12 =	vld.idx.msk [tilespmem:v13+s4+$0x0], $0xffff  }
0xef: {  	v13 =	vld.idx.msk [tilespmem:v14+s4+$0x0], $0xffff  }
0xf0: {  	v14 =	vld.idx.msk [tilespmem:v15+s4+$0x0], $0xffff  }
0xf1: {  	v9 =	vld.idx.msk [tilespmem:v9+s4+$0x0], $0xffff  }
0xf2: {  	v11 =	vld.idx.msk [tilespmem:v11+s4+$0x0], $0xffff  }
0xf3: {  	v7 =	vmul.f32 v7, v3;
	v8 =	vld.idx.msk [tilespmem:v8+s4+$0x0], $0xffff  }
0xf4: {  	s23 =	sadd.s32 $0x200, s23;
	v12 =	vmul.f32 v12, v3;
	v10 =	vld.idx.msk [tilespmem:v10+s4+$0x0], $0xffff  }
0xf5: {  	v13 =	vmul.f32 v13, v3;
	[tilespmem:s23+$0x80] =	vst v7;
	v6 =	vld.idx.msk [tilespmem:v6+s4+$0x0], $0xffff  }
0xf6: {  	v7 =	vmul.f32 v14, v3;
	[tilespmem:s23+$0xFFFFFF80] =	vst v12;
	v12 =	vld [tilespmem:s26+$0x90]  }
0xf7: {  	v9 =	vmul.f32 v9, v3;
	v14 =	vld [tilespmem:s26+$0xFFFFFF90];
	[tilespmem:s23+$0x0] =	vst v13  }
0xf8: {  	v11 =	vmul.f32 v11, v3;
	[tilespmem:s23+$0xFFFFFF00] =	vst v7;
	v7 =	vld [tilespmem:s26+$0x10]  }
0xf9: {  	v8 =	vmul.f32 v8, v3;
	v13 =	vld [tilespmem:s26+$0xFFFFFF10];
	[tilespmem:s24+$0xC0] =	vst v9  }
0xfa: {  	v9 =	vmul.f32 v10, v3;
	[tilespmem:s24+$0xFFFFFFC0] =	vst v11;
	v10 =	vld [tilespmem:s22+$0xD0]  }
0xfb: {  	v6 =	vmul.f32 v6, v3;
	v11 =	vld [tilespmem:s22+$0xFFFFFFD0];
	[tilespmem:s24+$0x40] =	vst v8  }
0xfc: {  	[tilespmem:s24+$0xFFFFFF40] =	vst v9;
	v8 =	vld [tilespmem:s22+$0x50]  }
0xfd: {  	v9 =	vld [tilespmem:s22+$0xFFFFFF50];
	[tilespmem:s21+$0xFFFFFF70] =	vst v6  }
0xfe: {  	v6 =	vld.idx.msk [tilespmem:v12+s4+$0x0], $0xffff  }
0xff: {  	v12 =	vld.idx.msk [tilespmem:v14+s4+$0x0], $0xffff  }
0x100: {  	v7 =	vld.idx.msk [tilespmem:v7+s4+$0x0], $0xffff  }
0x101: {  	v13 =	vld.idx.msk [tilespmem:v13+s4+$0x0], $0xffff  }
0x102: {  	v10 =	vld.idx.msk [tilespmem:v10+s4+$0x0], $0xffff  }
0x103: {  	v11 =	vld.idx.msk [tilespmem:v11+s4+$0x0], $0xffff  }
0x104: {  	v6 =	vmul.f32 v6, v3;
	v8 =	vld.idx.msk [tilespmem:v8+s4+$0x0], $0xffff  }
0x105: {  	v12 =	vmul.f32 v12, v3;
	v9 =	vld.idx.msk [tilespmem:v9+s4+$0x0], $0xffff  }
0x106: {  	v7 =	vmul.f32 v7, v3;
	[tilespmem:s23+$0x90] =	vst v6;
	v5 =	vld.idx.msk [tilespmem:v5+s4+$0x0], $0xffff  }
0x107: {  	v6 =	vmul.f32 v13, v3;
	[tilespmem:s23+$0xFFFFFF90] =	vst v12;
	v12 =	vld [tilespmem:s26+$0xA0]  }
0x108: {  	v13 =	vld [tilespmem:s26+$0xFFFFFFA0];
	[tilespmem:s23+$0x10] =	vst v7;
	v7 =	vmul.f32 v10, v3  }
0x109: {  	v10 =	vmul.f32 v11, v3;
	[tilespmem:s23+$0xFFFFFF10] =	vst v6;
	v6 =	vld [tilespmem:s26+$0x20]  }
0x10a: {  	v8 =	vmul.f32 v8, v3;
	v11 =	vld [tilespmem:s26+$0xFFFFFF20];
	[tilespmem:s24+$0xD0] =	vst v7  }
0x10b: {  	v7 =	vmul.f32 v9, v3;
	[tilespmem:s24+$0xFFFFFFD0] =	vst v10;
	v9 =	vld [tilespmem:s22+$0xE0]  }
0x10c: {  	v5 =	vmul.f32 v5, v3;
	v10 =	vld [tilespmem:s22+$0xFFFFFFE0];
	[tilespmem:s24+$0x50] =	vst v8  }
0x10d: {  	[tilespmem:s24+$0xFFFFFF50] =	vst v7;
	v7 =	vld [tilespmem:s22+$0x60]  }
0x10e: {  	v8 =	vld [tilespmem:s22+$0xFFFFFF60];
	[tilespmem:s21+$0xFFFFFFF0] =	vst v5  }
0x10f: {  	v5 =	vld.idx.msk [tilespmem:v12+s4+$0x0], $0xffff  }
0x110: {  	v12 =	vld.idx.msk [tilespmem:v13+s4+$0x0], $0xffff  }
0x111: {  	v6 =	vld.idx.msk [tilespmem:v6+s4+$0x0], $0xffff  }
0x112: {  	v11 =	vld.idx.msk [tilespmem:v11+s4+$0x0], $0xffff  }
0x113: {  	v9 =	vld.idx.msk [tilespmem:v9+s4+$0x0], $0xffff  }
0x114: {  	v10 =	vld.idx.msk [tilespmem:v10+s4+$0x0], $0xffff  }
0x115: {  	v5 =	vmul.f32 v5, v3;
	v7 =	vld.idx.msk [tilespmem:v7+s4+$0x0], $0xffff  }
0x116: {  	v12 =	vmul.f32 v12, v3;
	v8 =	vld.idx.msk [tilespmem:v8+s4+$0x0], $0xffff  }
0x117: {  	v6 =	vmul.f32 v6, v3;
	[tilespmem:s23+$0xA0] =	vst v5;
	v4 =	vld.idx.msk [tilespmem:v4+s4+$0x0], $0xffff  }
0x118: {  	v5 =	vmul.f32 v11, v3;
	[tilespmem:s23+$0xFFFFFFA0] =	vst v12;
	v11 =	vld [tilespmem:s26+$0xB0]  }
0x119: {  	v12 =	vld [tilespmem:s26+$0xFFFFFFB0];
	[tilespmem:s23+$0x20] =	vst v6;
	v6 =	vmul.f32 v9, v3  }
0x11a: {  	[tilespmem:s23+$0xFFFFFF20] =	vst v5;
	v13 =	vld [tilespmem:s26+$0x30];
	v5 =	vmul.f32 v10, v3  }
0x11b: {  	v7 =	vmul.f32 v7, v3;
	v10 =	vld [tilespmem:s26+$0xFFFFFF30];
	[tilespmem:s24+$0xE0] =	vst v6  }
0x11c: {  	v6 =	vmul.f32 v8, v3;
	[tilespmem:s24+$0xFFFFFFE0] =	vst v5;
	v14 =	vld [tilespmem:s22+$0xF0]  }
0x11d: {  	v5 =	vld [tilespmem:s22+$0xFFFFFFF0];
	[tilespmem:s24+$0x60] =	vst v7;
	v7 =	vmul.f32 v4, v3  }
0x11e: {  	[tilespmem:s24+$0xFFFFFF60] =	vst v6;
	v4 =	vld [tilespmem:s22+$0x70]  }
0x11f: {  	v6 =	vld [tilespmem:s22+$0xFFFFFF70];
	[tilespmem:s21+$0x70] =	vst v7;
	s21 =	smov.u32 s24;
	s24 =	smov.u32 s23;
	s22 =	smov.u32 s26  }
.Ltmp3:
0x120: {  	v11 =	vld.idx.msk [tilespmem:v11+s4+$0x0], $0xffff;
	(pc) =	sbr.rel @p2 .LBB2_4-.Ltmp3, $4  }
0x121: {  	v9 =	vld.idx.msk [tilespmem:v12+s4+$0x0], $0xffff  }
0x122: {  	v8 =	vld.idx.msk [tilespmem:v13+s4+$0x0], $0xffff  }
0x123: {  	v10 =	vld.idx.msk [tilespmem:v10+s4+$0x0], $0xffff  }
0x124: {  	s26 =	sadd.s32 $0x200, s26;
	v7 =	vld.idx.msk [tilespmem:v14+s4+$0x0], $0xffff  }
0x125: {  	_ =	sdelay $0x1  }
0x126: {  	v11 =	vmul.f32 v11, v3  }
0x127: {  	v10 =	vmul.f32 v10, v3  }
0x128: {  	v9 =	vmul.f32 v9, v3;
	[tilespmem:s23+$0xB0] =	vst v11  }
0x129: {  	v8 =	vmul.f32 v8, v3;
	v11 =	vld [tilespmem:s22+$0xC0];
	[tilespmem:s23+$0xFFFFFF30] =	vst v10  }
0x12a: {  	[tilespmem:s23+$0xFFFFFFB0] =	vst v9;
	v61 =	vld [tilespmem:s22+$0xFFFFFF40]  }
0x12b: {  	v62 =	vld [tilespmem:s22+$0xFFFFFFC0];
	[tilespmem:s23+$0x30] =	vst v8  }
0x12c: {  	v8 =	vld [tilespmem:s22+$0x40];
	_ =	sdelay $0x4  }
0x12d: {  	v11 =	vld.idx.msk [tilespmem:v11+s4+$0x0], $0xffff  }
0x12e: {  	v9 =	vld.idx.msk [tilespmem:v61+s4+$0x0], $0xffff  }
0x12f: {  	v10 =	vld.idx.msk [tilespmem:v62+s4+$0x0], $0xffff  }
0x130: {  	v8 =	vld.idx.msk [tilespmem:v8+s4+$0x0], $0xffff;
	_ =	sdelay $0x1  }
0x131: {  	v11 =	vmul.f32 v11, v3  }
0x132: {  	v9 =	vmul.f32 v9, v3  }
0x133: {  	v10 =	vmul.f32 v10, v3;
	[tilespmem:s24+$0xC0] =	vst v11  }
0x134: {  	v8 =	vmul.f32 v8, v3;
	v11 =	vld [tilespmem:s22+$0xD0];
	[tilespmem:s24+$0xFFFFFF40] =	vst v9  }
0x135: {  	[tilespmem:s24+$0xFFFFFFC0] =	vst v10;
	v9 =	vld [tilespmem:s22+$0xFFFFFF50]  }
0x136: {  	v10 =	vld [tilespmem:s22+$0xFFFFFFD0];
	[tilespmem:s24+$0x40] =	vst v8  }
0x137: {  	v8 =	vld [tilespmem:s22+$0x50];
	_ =	sdelay $0x4  }
0x138: {  	v11 =	vld.idx.msk [tilespmem:v11+s4+$0x0], $0xffff  }
0x139: {  	v9 =	vld.idx.msk [tilespmem:v9+s4+$0x0], $0xffff  }
0x13a: {  	v10 =	vld.idx.msk [tilespmem:v10+s4+$0x0], $0xffff  }
0x13b: {  	v8 =	vld.idx.msk [tilespmem:v8+s4+$0x0], $0xffff;
	_ =	sdelay $0x1  }
0x13c: {  	v11 =	vmul.f32 v11, v3  }
0x13d: {  	v9 =	vmul.f32 v9, v3  }
0x13e: {  	v10 =	vmul.f32 v10, v3;
	[tilespmem:s24+$0xD0] =	vst v11  }
0x13f: {  	v8 =	vmul.f32 v8, v3;
	v11 =	vld [tilespmem:s22+$0xE0];
	[tilespmem:s24+$0xFFFFFF50] =	vst v9  }
0x140: {  	[tilespmem:s24+$0xFFFFFFD0] =	vst v10;
	v9 =	vld [tilespmem:s22+$0xFFFFFF60]  }
0x141: {  	v10 =	vld [tilespmem:s22+$0xFFFFFFE0];
	[tilespmem:s24+$0x50] =	vst v8  }
0x142: {  	v8 =	vld [tilespmem:s22+$0x60];
	_ =	sdelay $0x4  }
0x143: {  	v11 =	vld.idx.msk [tilespmem:v11+s4+$0x0], $0xffff  }
0x144: {  	v9 =	vld.idx.msk [tilespmem:v9+s4+$0x0], $0xffff  }
0x145: {  	v10 =	vld.idx.msk [tilespmem:v10+s4+$0x0], $0xffff  }
0x146: {  	v8 =	vld.idx.msk [tilespmem:v8+s4+$0x0], $0xffff;
	_ =	sdelay $0x1  }
0x147: {  	v11 =	vmul.f32 v11, v3  }
0x148: {  	v9 =	vmul.f32 v9, v3  }
0x149: {  	v10 =	vmul.f32 v10, v3;
	[tilespmem:s24+$0xE0] =	vst v11  }
0x14a: {  	v8 =	vmul.f32 v8, v3;
	v11 =	vld [tilespmem:s22+$0xF0];
	[tilespmem:s24+$0xFFFFFF60] =	vst v9  }
0x14b: {  	[tilespmem:s24+$0xFFFFFFE0] =	vst v10;
	v9 =	vld [tilespmem:s22+$0xFFFFFF70]  }
0x14c: {  	v10 =	vld [tilespmem:s22+$0xFFFFFFF0];
	[tilespmem:s24+$0x60] =	vst v8  }
0x14d: {  	v8 =	vld [tilespmem:s22+$0x70];
	_ =	sdelay $0x1  }
0x14e: {  	v6 =	vld.idx.msk [tilespmem:v6+s4+$0x0], $0xffff  }
0x14f: {  	v5 =	vld.idx.msk [tilespmem:v5+s4+$0x0], $0xffff  }
0x150: {  	v4 =	vld.idx.msk [tilespmem:v4+s4+$0x0], $0xffff  }
0x151: {  	v11 =	vld.idx.msk [tilespmem:v11+s4+$0x0], $0xffff  }
0x152: {  	v7 =	vmul.f32 v7, v3;
	v9 =	vld.idx.msk [tilespmem:v9+s4+$0x0], $0xffff  }
0x153: {  	v6 =	vmul.f32 v6, v3;
	v10 =	vld.idx.msk [tilespmem:v10+s4+$0x0], $0xffff  }
0x154: {  	v5 =	vmul.f32 v5, v3;
	[tilespmem:s21+$0xF0] =	vst v7;
	v63 =	vld.idx.msk [tilespmem:v8+s4+$0x0], $0xffff  }
0x155: {  	v4 =	vmul.f32 v4, v3;
	[tilespmem:s21+$0xFFFFFF70] =	vst v6  }
0x156: {  	[tilespmem:s21+$0xFFFFFFF0] =	vst v5;
	v5 =	vmul.f32 v11, v3  }
0x157: {  	[tilespmem:s21+$0x70] =	vst v4;
	v4 =	vmul.f32 v9, v3  }
0x158: {  	[tilespmem:s24+$0xF0] =	vst v5;
	v5 =	vmul.f32 v10, v3  }
0x159: {  	[tilespmem:s24+$0xFFFFFF70] =	vst v4;
	v4 =	vmul.f32 v63, v3  }
0x15a: {  	s20 =	sshll.u32 s20, $0x6;
	[tilespmem:s24+$0xFFFFFFF0] =	vst v5  }
0x15b: {  	s30 =	sor.u32 $0x10, s20;
	[tilespmem:s24+$0x70] =	vst v4;
	v4 =	vor.u32 s20, v2  }
0x15c: {  	s31 =	sor.u32 $0x20, s20;
	[tilespmem:$0x1E780] =	vst v4;
	v4 =	vor.u32 s30, v2  }
0x15d: {  	s20 =	sor.u32 $0x30, s20;
	[tilespmem:$0x1E790] =	vst v4;
	v4 =	vor.u32 s31, v2  }
0x15e: {  	[tilespmem:$0x1E7A0] =	vst v4;
	v4 =	vor.u32 s20, v2  }
0x15f: {  	[tilespmem:$0x1E7B0] =	vst v4  }
0x160: {  	[spmem:s2] =	stream.indirect.scatter.add.f32 [tilespmem:s18], [sflag:$0x4], $0x80, s17, s16, $0xb8;
	[tilespmem:$0x1F000] =	vst v63  }
.Ltmp4:
0x161: {  	_ = 	snop;
	(pc) =	sbr.rel @p1 .LBB2_3-.Ltmp4, $4  }
.Ltmp5:
0x162: {  	_ = 	snop;
	(pc) =	sbr.rel @!p1 .LBB2_6-.Ltmp5, $4  }
0x163: {  	_ =	swait.ge [sflag:s11], $0x2000  }
0x164: {  	[sflag:s11] =	ssyncset.done $0x0  }
0x165: {  	p2 =	por $0x0, $0x0;
	s20 =	simm.s32 $0x1;
	[sflag:s11] =	ssyncadd.s32 $0xFFFFE000  }
0x166: {  	_ = 	snop  }
.LBB2_7:
0x167: {  	_ =	sfence.sel $0x180000  }
0x168: {  	[bflag:$0x0] =	sbarrier.arrive $0xFFFF  }
0x169: {  	p0 =	sne.s32 s3, $0x0;
	_ =	strace $0x90000047  }
0x16a: {  	s0 =	sadd.s32 @!p0 $0x100000, s0;
	[bflag:$0x2] =	sbarrier.arrive $0xFFFF  }
0x16b: {  	[sflag:s0] =	ssyncadd.tile.s32 @!p0 $0x1;
	_ =	shalt  }
.Lfunc_end2:
_tile_overlayer_lowered:
.L_overlay_start_2:
0x16c: {  	(tag) =	ssettag $0x2  }
0x16d: {  	s0 =	rddreg [dreg:$0x0];
	s2 =	stileid.u32  }
0x16e: {  	s1 =	rddreg [dreg:$0x1];
	p0 =	sne.s32 s2, $0x0  }
0x16f: {  	s3 =	rddreg [dreg:$0x2];
	[bflag:$0x3] =	sbarrier.arrive $0xFFFF;
	s2 =	simm.s32 @!p0 $0x1C04  }
0x170: {  	[timem:s3], [sflag:s2] =	dma.local @!p0 [hbm:s0], s1  }
0x171: {  	s0 =	simm.s32 @!p0 $0x4  }
0x172: {  	_ =	swait.ge @!p0 [sflag:s0], s1  }
0x173: {  	s1 =	ssub.s32 @!p0 $0x0, s1;
	[sflag:s0] =	ssyncset.done @!p0 $0x0  }
0x174: {  	[sflag:s0] =	ssyncadd.s32 @!p0 s1  }
0x175: {  	[bflag:$0x3] =	sbarrier.arrive $0xFFFF  }
0x176: {  	_ =	shalt  }

</sc_bundles>
